<compile_context>
chip_gen: v7x
topology: tpu7x:2x2x1
jax: 0.10.2.dev20260603
libtpu: 0.0.44.dev20260713+nightly
codegen_flags: <defaults>
</compile_context>

<pallas_src>
import functools

import jax
import jax.numpy as jnp
import numpy as np
from jax.experimental import pallas as pl
from jax.experimental.pallas import tpu as pltpu
from jax.experimental.pallas import tpu_sc as plsc

_OBJ_SCALE = 1.0
_NOOBJ_SCALE = 100.0
_IGNORE = 0.5
_ANCH = np.array([[10.0, 13.0], [16.0, 30.0], [33.0, 23.0]], dtype=np.float32)
_NA, _NB, _NH, _NW, _NGT = 3, 16, 64, 64, 256
_NC = _NA * (80 + 5)
_EPS = 1e-12
_TOTAL_CELLS = float(_NB * _NA * _NH * _NW)
_NCONF = _NB * _NA * _NH * _NW
_SC_W = 32
_PER_W = _NCONF // _SC_W


_NCELL = _NB * _NH * _NW
_CPW = _NCELL // _SC_W
_GSTART = (0, 88, 168)
_GOFF = tuple(85 * a + 4 - _GSTART[a] for a in range(_NA))


def _sc_pack_body(outV2_ref, confP_ref, bufs_ref, packed_ref, sem):
    wid = jax.lax.axis_index("s") * 2 + jax.lax.axis_index("c")
    base = wid * _CPW
    cps = [pltpu.make_async_copy(
        outV2_ref.at[pl.ds(base, _CPW), pl.ds(_GSTART[a], 8)],
        bufs_ref.at[a], sem) for a in range(_NA)]
    for cp in cps:
        cp.start()
    for cp in cps:
        cp.wait()

    lane = jax.lax.iota(jnp.int32, 16)

    def pick(j, carry):
        row = j * 16 + lane
        for a in range(_NA):
            v = plsc.load_gather(
                bufs_ref, [jnp.full((16,), a, jnp.int32), row,
                           jnp.full((16,), _GOFF[a], jnp.int32)])
            packed_ref[a, pl.ds(j * 16, 16)] = v
        return carry
    jax.lax.fori_loop(0, _CPW // 16, pick, 0)

    for a in range(_NA):
        pltpu.sync_copy(packed_ref.at[a],
                        confP_ref.at[pl.ds(a * _NCELL + base, _CPW)])


def _make_sc_pack():
    return pl.kernel(
        _sc_pack_body,
        out_type=jax.ShapeDtypeStruct((_NCONF,), jnp.float32),
        mesh=plsc.VectorSubcoreMesh(core_axis_name="c", subcore_axis_name="s"),
        compiler_params=pltpu.CompilerParams(use_tc_tiling_on_sc=False,
                                             needs_layout_passes=False),
        scratch_types=[
            pltpu.VMEM((_NA, _CPW, 8), jnp.float32),
            pltpu.VMEM((_NA, _CPW), jnp.float32),
            pltpu.SemaphoreType.DMA,
        ])


def _body(gr_ref, gc_ref, anch_ref, bat_ref, cell_ref, outV_ref, conf_ref,
          out_ref, gtv_ref, sem1):
    def issue(g, carry):
        b = bat_ref[g]
        cell8 = pl.multiple_of((cell_ref[g] // 8) * 8, 8)
        pltpu.make_async_copy(outV_ref.at[b, pl.ds(cell8, 8), :],
                              gtv_ref.at[g], sem1).start()
        return carry
    jax.lax.fori_loop(0, _NGT, issue, 0)

    gx_r = gr_ref[1:2, :] * _NW
    gy_r = gr_ref[2:3, :] * _NH
    gw_r = gr_ref[3:4, :] * _NW
    gh_r = gr_ref[4:5, :] * _NH
    gw_c = gc_ref[:, 3:4] * _NW
    gh_c = gc_ref[:, 4:5] * _NH

    def iou_ab(gw, gh, k):
        aw = anch_ref[0, k]
        ah = anch_ref[1, k]
        inter = jnp.minimum(gw, aw) * jnp.minimum(gh, ah)
        union = gw * gh + aw * ah - inter
        return inter / (union + 1e-16)

    iou_r = [iou_ab(gw_r, gh_r, k) for k in range(_NA)]
    iou_c = [iou_ab(gw_c, gh_c, k) for k in range(_NA)]

    def argmax3(i0, i1, i2):
        best = jnp.zeros_like(i0, dtype=jnp.int32)
        m = i0
        best = jnp.where(i1 > m, 1, best)
        m = jnp.maximum(m, i1)
        best = jnp.where(i2 > m, 2, best)
        return best

    best_r = argmax3(*iou_r)
    best_c = argmax3(*iou_c)
    excl_r = [(iou_r[k] > _IGNORE) | (best_r == k) for k in range(_NA)]
    excl_c = [(iou_c[k] > _IGNORE) | (best_c == k) for k in range(_NA)]

    gx_c = gc_ref[:, 1:2] * _NW
    gy_c = gc_ref[:, 2:3] * _NH
    cell_r = (gr_ref[0:1, :] * _NH + jnp.floor(gy_r)) * _NW + jnp.floor(gx_r)
    cell_c = (gc_ref[:, 0:1] * _NH + jnp.floor(gy_c)) * _NW + jnp.floor(gx_c)

    io_g = jax.lax.broadcasted_iota(jnp.int32, (_NGT, _NGT), 1)
    io_gp = jax.lax.broadcasted_iota(jnp.int32, (_NGT, _NGT), 0)
    later = io_gp > io_g
    same_cell = (cell_r == cell_c) & later
    same_best = best_r == best_c
    winner_obj = ~jnp.any(same_cell & same_best, axis=0, keepdims=True)
    winner_excl = [
        excl_r[k] & ~jnp.any(same_cell & excl_c[k], axis=0, keepdims=True)
        for k in range(_NA)]

    fobj = winner_obj.astype(jnp.float32)
    n_obj = jnp.maximum(jnp.sum(fobj), 1.0)
    n_excl = sum(jnp.sum(w.astype(jnp.float32)) for w in winner_excl)
    n_noobj = jnp.maximum(_TOTAL_CELLS - n_excl, 1.0)

    x = conf_ref[...]
    dens = jnp.sum(jnp.log(1.0 + jnp.exp(x)))

    def drain(g, carry):
        pltpu.make_async_copy(outV_ref.at[0, pl.ds(0, 8), :],
                              gtv_ref.at[0], sem1).wait()
        return carry
    jax.lax.fori_loop(0, _NGT, drain, 0)

    cellmod = (cell_c.astype(jnp.int32) % 8).reshape(_NGT, 1, 1)
    s_io = jax.lax.broadcasted_iota(jnp.int32, (_NGT, 8, 5), 1)
    smask = s_io == cellmod
    va = [jnp.sum(jnp.where(smask, gtv_ref[:, :, 85 * a:85 * a + 5], 0.0),
                  axis=1) for a in range(_NA)]
    gt15 = jnp.concatenate(va, axis=1).T

    sel = [(best_r == k).astype(jnp.float32) for k in range(_NA)]
    pv = []
    for c in range(5):
        pv.append(sum(sel[k] * gt15[5 * k + c:5 * k + c + 1, :]
                      for k in range(_NA)))
    conf_a = [gt15[5 * k + 4:5 * k + 5, :] for k in range(_NA)]

    saw_sel = sum(sel[k] * anch_ref[0, k] for k in range(_NA))
    sah_sel = sum(sel[k] * anch_ref[1, k] for k in range(_NA))
    tx = gx_r - jnp.floor(gx_r)
    ty = gy_r - jnp.floor(gy_r)
    tw = gw_r / saw_sel
    th = gh_r / sah_sel

    xs = jax.nn.sigmoid(pv[0])
    ys = jax.nn.sigmoid(pv[1])
    bbox = (xs - tx) ** 2 + (ys - ty) ** 2 \
        + (pv[2] - jnp.log(tw)) ** 2 + (pv[3] - jnp.log(th)) ** 2
    obj_bce = -jnp.log(jax.nn.sigmoid(pv[4]) + _EPS)
    sum_bbox = jnp.sum(bbox * fobj)
    sum_objbce = jnp.sum(obj_bce * fobj)
    corr = sum(
        jnp.sum(jnp.where(winner_excl[k],
                          -jnp.log(1.0 - jax.nn.sigmoid(conf_a[k]) + _EPS),
                          0.0))
        for k in range(_NA))

    total = (sum_bbox + _OBJ_SCALE * sum_objbce) / n_obj \
        + _NOOBJ_SCALE * (dens - corr) / n_noobj
    out_ref[0, 0] = total


def kernel(out, gts, size):
    outV = out.transpose(0, 2, 3, 1).reshape(_NB, _NH * _NW, _NC)
    stride_h = (size[0] // _NH).astype(jnp.float32)
    stride_w = (size[1] // _NW).astype(jnp.float32)
    saw = jnp.asarray(_ANCH[:, 0]) / stride_w
    sah = jnp.asarray(_ANCH[:, 1]) / stride_h
    anch = jnp.stack([saw, sah])
    gts_r = gts.T
    bat_i = gts[:, 0].astype(jnp.int32)
    cell_i = (gts[:, 2] * _NH).astype(jnp.int32) * _NW \
        + (gts[:, 1] * _NW).astype(jnp.int32)

    outV2 = outV.reshape(_NB * _NH * _NW, _NC)
    confP = _make_sc_pack()(outV2)
    confP2 = confP.reshape(_NCONF // 128, 128)

    total = pl.pallas_call(
        _body,
        in_specs=[
            pl.BlockSpec((5, _NGT), lambda: (0, 0)),
            pl.BlockSpec((_NGT, 5), lambda: (0, 0)),
            pl.BlockSpec(memory_space=pltpu.SMEM),
            pl.BlockSpec(memory_space=pltpu.SMEM),
            pl.BlockSpec(memory_space=pltpu.SMEM),
            pl.BlockSpec(memory_space=pltpu.MemorySpace.HBM),
            pl.BlockSpec((_NCONF // 128, 128), lambda: (0, 0)),
        ],
        out_specs=pl.BlockSpec(memory_space=pltpu.SMEM),
        out_shape=jax.ShapeDtypeStruct((1, 1), jnp.float32),
        scratch_shapes=[
            pltpu.VMEM((_NGT, 8, _NC), jnp.float32),
            pltpu.SemaphoreType.DMA,
        ],
    )(gts_r, gts, anch, bat_i, cell_i, outV, confP2)
    return total.reshape(())

# --- scband reference (transcript-rebuilt; emitter-appended) ---
"""Pipeline reference for scband-yololossv3-52097953300961 (READ-ONLY COPY).

The authoritative reference and input builder live on the scoring server;
editing this copy changes nothing except your own understanding.
"""

import jax, jax.numpy as jnp
import numpy as np

OBJ_SCALE = 1.0
NOOBJ_SCALE = 100.0
CLS_NUM = 80
IGNORE_THRES = 0.5
ANCHORS = np.array([[10.0, 13.0], [16.0, 30.0], [33.0, 23.0]], dtype=np.float32)
NA = 3
NB = 16
NH = 64
NW = 64
NGT = 256


def setup_inputs(seed: int = 0) -> dict:
    key = jax.random.key(seed)
    k1, k2, k3, k4 = jax.random.split(key, 4)
    out = jax.random.normal(k1, (NB, NA * (CLS_NUM + 5), NH, NW), dtype=jnp.float32) * 0.5
    b = jax.random.randint(k2, (NGT,), 0, NB).astype(jnp.float32)
    xy = jax.random.uniform(k3, (NGT, 2), minval=0.05, maxval=0.95, dtype=jnp.float32)
    wh = jax.random.uniform(k4, (NGT, 2), minval=0.02, maxval=0.3, dtype=jnp.float32)
    gts = jnp.concatenate([b[:, None], xy, wh], axis=1)
    size = np.array([512, 512], dtype=np.int64)
    return {"out": out, "gts": gts, "size": size}


def _iou_wh(gw, gh, aw, ah):
    inter = jnp.minimum(gw, aw) * jnp.minimum(gh, ah)
    union = gw * gh + aw * ah - inter
    return inter / (union + 1e-16)


def _forward(out, gts, size):
    nb, _, nh, nw = out.shape
    pred = out.reshape(nb, NA, CLS_NUM + 5, nh, nw).transpose(0, 1, 3, 4, 2)
    xs = jax.nn.sigmoid(pred[..., 0])
    ys = jax.nn.sigmoid(pred[..., 1])
    ws = pred[..., 2]
    hs = pred[..., 3]
    conf = jax.nn.sigmoid(pred[..., 4])
    grid_x, grid_y = jnp.meshgrid(jnp.arange(nw, dtype=jnp.float32), jnp.arange(nh, dtype=jnp.float32))
    stride_h = jnp.asarray(size[0] // nh).astype(jnp.float32)
    stride_w = jnp.asarray(size[1] // nw).astype(jnp.float32)
    saw = jnp.asarray(ANCHORS[:, 0].reshape(1, NA, 1, 1)) / stride_w
    sah = jnp.asarray(ANCHORS[:, 1].reshape(1, NA, 1, 1)) / stride_h
    pd_bboxes = jnp.stack([xs + grid_x, ys + grid_y, jnp.exp(ws) * saw, jnp.exp(hs) * sah], axis=-1)
    # ---- build_target ----
    gt_boxes = gts[:, 1:]
    gws = gt_boxes[:, 2] * nw
    ghs = gt_boxes[:, 3] * nh
    batch = gts[:, 0].astype(jnp.int32)
    gxs = gt_boxes[:, 0] * nw
    gys = gt_boxes[:, 1] * nh
    gis = gxs.astype(jnp.int32)
    gjs = gys.astype(jnp.int32)
    anchors = jnp.stack([saw.reshape(-1), sah.reshape(-1)], axis=-1)
    ious = jnp.stack([_iou_wh(gws, ghs, anchors[a, 0], anchors[a, 1]) for a in range(NA)])  # (NA, NGT)
    best_n = jnp.argmax(ious, axis=0)
    obj = jnp.zeros((nb, NA, nh, nw), dtype=jnp.float32).at[batch, best_n, gjs, gis].set(1.0)
    noobj = jnp.ones((nb, NA, nh, nw), dtype=jnp.float32).at[batch, best_n, gjs, gis].set(0.0)
    keep = (ious.T <= IGNORE_THRES).astype(jnp.float32)  # (NGT, NA)
    a_idx = jnp.broadcast_to(jnp.arange(NA)[None, :], (gts.shape[0], NA))
    noobj = noobj.at[batch[:, None], a_idx, gjs[:, None], gis[:, None]].mul(keep)
    tb = jnp.zeros((nb, NA, nh, nw, 4), dtype=jnp.float32)
    tb = tb.at[batch, best_n, gjs, gis, 0].set(gxs)
    tb = tb.at[batch, best_n, gjs, gis, 1].set(gys)
    tb = tb.at[batch, best_n, gjs, gis, 2].set(gws)
    tb = tb.at[batch, best_n, gjs, gis, 3].set(ghs)
    obj_mask = obj > 0.5
    noobj_mask = noobj > 0.5
    n_obj = jnp.maximum(jnp.sum(obj_mask.astype(jnp.float32)), 1.0)
    n_noobj = jnp.maximum(jnp.sum(noobj_mask.astype(jnp.float32)), 1.0)
    # ---- bbox loss (masked-mean == torch mse over boolean-indexed elements) ----
    txs = tb[..., 0] - jnp.floor(tb[..., 0])
    tys = tb[..., 1] - jnp.floor(tb[..., 1])
    tws = tb[..., 2] / saw
    ths = tb[..., 3] / sah

    def mse_masked(a, b, m, n):
        return jnp.sum(jnp.where(m, (a - b) ** 2, 0.0)) / n

    loss_x = mse_masked(xs, txs, obj_mask, n_obj)
    loss_y = mse_masked(ys, tys, obj_mask, n_obj)
    log_tws = jnp.log(jnp.where(obj_mask, tws, 1.0))
    log_ths = jnp.log(jnp.where(obj_mask, ths, 1.0))
    loss_w = mse_masked(ws, log_tws, obj_mask, n_obj)
    loss_h = mse_masked(hs, log_ths, obj_mask, n_obj)
    loss_bbox = loss_x + loss_y + loss_w + loss_h
    # ---- objectness loss (masked-mean BCE) ----
    eps = 1e-12
    tconf = obj
    bce = -(tconf * jnp.log(conf + eps) + (1.0 - tconf) * jnp.log(1.0 - conf + eps))
    loss_conf_obj = OBJ_SCALE * jnp.sum(jnp.where(obj_mask, bce, 0.0)) / n_obj
    loss_conf_noobj = NOOBJ_SCALE * jnp.sum(jnp.where(noobj_mask, bce, 0.0)) / n_noobj
    total = loss_bbox + loss_conf_obj + loss_conf_noobj
    return total


def reference(out, gts, size):
    return _forward(out, gts, size)


if False:  # reference __main__ guard neutralized (emitter)
    inp = setup_inputs()
    print(reference(**inp))

if __name__ == "__main__":
    import jax
    _d = setup_inputs()
    print(jax.jit(kernel)(*tuple(_d.values())))

</pallas_src>

<mosaic_0001>
#map = affine_map<(d0, d1) -> (0, 0)>
#map1 = affine_map<(d0, d1) -> (0)>
module attributes {stable_mosaic.version = 14 : i64} {
  func.func @_sc_pack_body(%arg0: i32, %arg1: i32, %arg2: memref<65536x255xf32, #tpu.memory_space<hbm>>, %arg3: memref<196608xf32, #tpu.memory_space<hbm>>, %arg4: memref<3x2048x8xf32, #tpu.memory_space<vmem>>, %arg5: memref<3x2048xf32, #tpu.memory_space<vmem>>, %arg6: memref<!tpu.dma_semaphore, #tpu.memory_space<semaphore_mem>>) attributes {dimension_semantics = [#tpu.dimension_semantics<core_parallel>, #tpu.dimension_semantics<subcore_parallel>], iteration_bounds = array<i64: 2, 16>, scalar_prefetch = 0 : i64, scratch_operands = 3 : i64, tpu.core_type = #tpu.core_type<sc_vector_subcore>, window_params = [{transform_indices = #map}, {transform_indices = #map1}]} {
    %mul3A = arith.constant 2 : i32
    %mul3A_0 = arith.muli %arg1, %mul3A : i32
    %add3A = arith.addi %mul3A_0, %arg0 : i32
    %mul3A_1 = arith.constant 2048 : i32
    %mul3A_2 = arith.muli %add3A, %mul3A_1 : i32
    %dma_start3A = arith.constant 0 : i32
    %dma_start3A_3 = arith.constant 0 : i32
    %dma_start3A_4 = arith.constant 0 : i32
    %dma_start3A_5 = tpu.memref_slice %arg4[%dma_start3A, %dma_start3A_3, %dma_start3A_4] : memref<3x2048x8xf32, #tpu.memory_space<vmem>> -> memref<1x2048x8xf32, #tpu.memory_space<vmem>>
    %dma_start3A_6 = tpu.memref_squeeze %dma_start3A_5 : memref<1x2048x8xf32, #tpu.memory_space<vmem>> -> memref<2048x8xf32, #tpu.memory_space<vmem>>
    %dma_start3A_7 = arith.constant 0 : i32
    %dma_start3A_8 = tpu.memref_slice %arg2[%mul3A_2, %dma_start3A_7] : memref<65536x255xf32, #tpu.memory_space<hbm>> -> memref<2048x8xf32, #tpu.memory_space<hbm>>
    %dma_start3A_9 = arith.constant 0 : i32
    %dma_start3A_10 = arith.constant 0 : i32
    %dma_start3A_11 = tpu.memref_slice %arg4[%dma_start3A, %dma_start3A_9, %dma_start3A_10] : memref<3x2048x8xf32, #tpu.memory_space<vmem>> -> memref<1x2048x8xf32, #tpu.memory_space<vmem>>
    %dma_start3A_12 = tpu.memref_squeeze %dma_start3A_11 : memref<1x2048x8xf32, #tpu.memory_space<vmem>> -> memref<2048x8xf32, #tpu.memory_space<vmem>>
    %dma_start3A_13 = arith.constant 0 : i32
    %dma_start3A_14 = tpu.memref_slice %arg2[%mul3A_2, %dma_start3A_13] : memref<65536x255xf32, #tpu.memory_space<hbm>> -> memref<2048x8xf32, #tpu.memory_space<hbm>>
    tpu.enqueue_dma source(%dma_start3A_14 : memref<2048x8xf32, #tpu.memory_space<hbm>>) target(%dma_start3A_12 : memref<2048x8xf32, #tpu.memory_space<vmem>>) target_semaphore(%arg6 : memref<!tpu.dma_semaphore, #tpu.memory_space<semaphore_mem>>)
    %dma_start3A_15 = arith.constant 1 : i32
    %dma_start3A_16 = arith.constant 0 : i32
    %dma_start3A_17 = arith.constant 0 : i32
    %dma_start3A_18 = tpu.memref_slice %arg4[%dma_start3A_15, %dma_start3A_16, %dma_start3A_17] : memref<3x2048x8xf32, #tpu.memory_space<vmem>> -> memref<1x2048x8xf32, #tpu.memory_space<vmem>>
    %dma_start3A_19 = tpu.memref_squeeze %dma_start3A_18 : memref<1x2048x8xf32, #tpu.memory_space<vmem>> -> memref<2048x8xf32, #tpu.memory_space<vmem>>
    %dma_start3A_20 = arith.constant 88 : i32
    %dma_start3A_21 = tpu.memref_slice %arg2[%mul3A_2, %dma_start3A_20] : memref<65536x255xf32, #tpu.memory_space<hbm>> -> memref<2048x8xf32, #tpu.memory_space<hbm>>
    %dma_start3A_22 = arith.constant 0 : i32
    %dma_start3A_23 = arith.constant 0 : i32
    %dma_start3A_24 = tpu.memref_slice %arg4[%dma_start3A_15, %dma_start3A_22, %dma_start3A_23] : memref<3x2048x8xf32, #tpu.memory_space<vmem>> -> memref<1x2048x8xf32, #tpu.memory_space<vmem>>
    %dma_start3A_25 = tpu.memref_squeeze %dma_start3A_24 : memref<1x2048x8xf32, #tpu.memory_space<vmem>> -> memref<2048x8xf32, #tpu.memory_space<vmem>>
    %dma_start3A_26 = arith.constant 88 : i32
    %dma_start3A_27 = tpu.memref_slice %arg2[%mul3A_2, %dma_start3A_26] : memref<65536x255xf32, #tpu.memory_space<hbm>> -> memref<2048x8xf32, #tpu.memory_space<hbm>>
    tpu.enqueue_dma source(%dma_start3A_27 : memref<2048x8xf32, #tpu.memory_space<hbm>>) target(%dma_start3A_25 : memref<2048x8xf32, #tpu.memory_space<vmem>>) target_semaphore(%arg6 : memref<!tpu.dma_semaphore, #tpu.memory_space<semaphore_mem>>)
    %dma_start3A_28 = arith.constant 2 : i32
    %dma_start3A_29 = arith.constant 0 : i32
    %dma_start3A_30 = arith.constant 0 : i32
    %dma_start3A_31 = tpu.memref_slice %arg4[%dma_start3A_28, %dma_start3A_29, %dma_start3A_30] : memref<3x2048x8xf32, #tpu.memory_space<vmem>> -> memref<1x2048x8xf32, #tpu.memory_space<vmem>>
    %dma_start3A_32 = tpu.memref_squeeze %dma_start3A_31 : memref<1x2048x8xf32, #tpu.memory_space<vmem>> -> memref<2048x8xf32, #tpu.memory_space<vmem>>
    %dma_start3A_33 = arith.constant 168 : i32
    %dma_start3A_34 = tpu.memref_slice %arg2[%mul3A_2, %dma_start3A_33] : memref<65536x255xf32, #tpu.memory_space<hbm>> -> memref<2048x8xf32, #tpu.memory_space<hbm>>
    %dma_start3A_35 = arith.constant 0 : i32
    %dma_start3A_36 = arith.constant 0 : i32
    %dma_start3A_37 = tpu.memref_slice %arg4[%dma_start3A_28, %dma_start3A_35, %dma_start3A_36] : memref<3x2048x8xf32, #tpu.memory_space<vmem>> -> memref<1x2048x8xf32, #tpu.memory_space<vmem>>
    %dma_start3A_38 = tpu.memref_squeeze %dma_start3A_37 : memref<1x2048x8xf32, #tpu.memory_space<vmem>> -> memref<2048x8xf32, #tpu.memory_space<vmem>>
    %dma_start3A_39 = arith.constant 168 : i32
    %dma_start3A_40 = tpu.memref_slice %arg2[%mul3A_2, %dma_start3A_39] : memref<65536x255xf32, #tpu.memory_space<hbm>> -> memref<2048x8xf32, #tpu.memory_space<hbm>>
    tpu.enqueue_dma source(%dma_start3A_40 : memref<2048x8xf32, #tpu.memory_space<hbm>>) target(%dma_start3A_38 : memref<2048x8xf32, #tpu.memory_space<vmem>>) target_semaphore(%arg6 : memref<!tpu.dma_semaphore, #tpu.memory_space<semaphore_mem>>)
    %dma_wait3A = arith.constant 0 : i32
    %dma_wait3A_41 = arith.constant 0 : i32
    %dma_wait3A_42 = arith.constant 0 : i32
    %dma_wait3A_43 = tpu.memref_slice %arg4[%dma_wait3A, %dma_wait3A_41, %dma_wait3A_42] : memref<3x2048x8xf32, #tpu.memory_space<vmem>> -> memref<1x2048x8xf32, #tpu.memory_space<vmem>>
    %dma_wait3A_44 = tpu.memref_squeeze %dma_wait3A_43 : memref<1x2048x8xf32, #tpu.memory_space<vmem>> -> memref<2048x8xf32, #tpu.memory_space<vmem>>
    %dma_wait3A_45 = arith.constant 0 : i32
    %dma_wait3A_46 = tpu.memref_slice %arg2[%mul3A_2, %dma_wait3A_45] : memref<65536x255xf32, #tpu.memory_space<hbm>> -> memref<2048x8xf32, #tpu.memory_space<hbm>>
    %dma_wait3A_47 = arith.constant 0 : i32
    %dma_wait3A_48 = arith.constant 0 : i32
    %dma_wait3A_49 = tpu.memref_slice %arg4[%dma_wait3A, %dma_wait3A_47, %dma_wait3A_48] : memref<3x2048x8xf32, #tpu.memory_space<vmem>> -> memref<1x2048x8xf32, #tpu.memory_space<vmem>>
    %dma_wait3A_50 = tpu.memref_squeeze %dma_wait3A_49 : memref<1x2048x8xf32, #tpu.memory_space<vmem>> -> memref<2048x8xf32, #tpu.memory_space<vmem>>
    %dma_wait3A_51 = arith.constant 0 : i32
    %dma_wait3A_52 = tpu.memref_slice %arg2[%mul3A_2, %dma_wait3A_51] : memref<65536x255xf32, #tpu.memory_space<hbm>> -> memref<2048x8xf32, #tpu.memory_space<hbm>>
    tpu.wait_dma2 semaphore(%arg6 : memref<!tpu.dma_semaphore, #tpu.memory_space<semaphore_mem>>) src(%dma_wait3A_52 : memref<2048x8xf32, #tpu.memory_space<hbm>>) dst(%dma_wait3A_50 : memref<2048x8xf32, #tpu.memory_space<vmem>>)
    %dma_wait3A_53 = arith.constant 1 : i32
    %dma_wait3A_54 = arith.constant 0 : i32
    %dma_wait3A_55 = arith.constant 0 : i32
    %dma_wait3A_56 = tpu.memref_slice %arg4[%dma_wait3A_53, %dma_wait3A_54, %dma_wait3A_55] : memref<3x2048x8xf32, #tpu.memory_space<vmem>> -> memref<1x2048x8xf32, #tpu.memory_space<vmem>>
    %dma_wait3A_57 = tpu.memref_squeeze %dma_wait3A_56 : memref<1x2048x8xf32, #tpu.memory_space<vmem>> -> memref<2048x8xf32, #tpu.memory_space<vmem>>
    %dma_wait3A_58 = arith.constant 88 : i32
    %dma_wait3A_59 = tpu.memref_slice %arg2[%mul3A_2, %dma_wait3A_58] : memref<65536x255xf32, #tpu.memory_space<hbm>> -> memref<2048x8xf32, #tpu.memory_space<hbm>>
    %dma_wait3A_60 = arith.constant 0 : i32
    %dma_wait3A_61 = arith.constant 0 : i32
    %dma_wait3A_62 = tpu.memref_slice %arg4[%dma_wait3A_53, %dma_wait3A_60, %dma_wait3A_61] : memref<3x2048x8xf32, #tpu.memory_space<vmem>> -> memref<1x2048x8xf32, #tpu.memory_space<vmem>>
    %dma_wait3A_63 = tpu.memref_squeeze %dma_wait3A_62 : memref<1x2048x8xf32, #tpu.memory_space<vmem>> -> memref<2048x8xf32, #tpu.memory_space<vmem>>
    %dma_wait3A_64 = arith.constant 88 : i32
    %dma_wait3A_65 = tpu.memref_slice %arg2[%mul3A_2, %dma_wait3A_64] : memref<65536x255xf32, #tpu.memory_space<hbm>> -> memref<2048x8xf32, #tpu.memory_space<hbm>>
    tpu.wait_dma2 semaphore(%arg6 : memref<!tpu.dma_semaphore, #tpu.memory_space<semaphore_mem>>) src(%dma_wait3A_65 : memref<2048x8xf32, #tpu.memory_space<hbm>>) dst(%dma_wait3A_63 : memref<2048x8xf32, #tpu.memory_space<vmem>>)
    %dma_wait3A_66 = arith.constant 2 : i32
    %dma_wait3A_67 = arith.constant 0 : i32
    %dma_wait3A_68 = arith.constant 0 : i32
    %dma_wait3A_69 = tpu.memref_slice %arg4[%dma_wait3A_66, %dma_wait3A_67, %dma_wait3A_68] : memref<3x2048x8xf32, #tpu.memory_space<vmem>> -> memref<1x2048x8xf32, #tpu.memory_space<vmem>>
    %dma_wait3A_70 = tpu.memref_squeeze %dma_wait3A_69 : memref<1x2048x8xf32, #tpu.memory_space<vmem>> -> memref<2048x8xf32, #tpu.memory_space<vmem>>
    %dma_wait3A_71 = arith.constant 168 : i32
    %dma_wait3A_72 = tpu.memref_slice %arg2[%mul3A_2, %dma_wait3A_71] : memref<65536x255xf32, #tpu.memory_space<hbm>> -> memref<2048x8xf32, #tpu.memory_space<hbm>>
    %dma_wait3A_73 = arith.constant 0 : i32
    %dma_wait3A_74 = arith.constant 0 : i32
    %dma_wait3A_75 = tpu.memref_slice %arg4[%dma_wait3A_66, %dma_wait3A_73, %dma_wait3A_74] : memref<3x2048x8xf32, #tpu.memory_space<vmem>> -> memref<1x2048x8xf32, #tpu.memory_space<vmem>>
    %dma_wait3A_76 = tpu.memref_squeeze %dma_wait3A_75 : memref<1x2048x8xf32, #tpu.memory_space<vmem>> -> memref<2048x8xf32, #tpu.memory_space<vmem>>
    %dma_wait3A_77 = arith.constant 168 : i32
    %dma_wait3A_78 = tpu.memref_slice %arg2[%mul3A_2, %dma_wait3A_77] : memref<65536x255xf32, #tpu.memory_space<hbm>> -> memref<2048x8xf32, #tpu.memory_space<hbm>>
    tpu.wait_dma2 semaphore(%arg6 : memref<!tpu.dma_semaphore, #tpu.memory_space<semaphore_mem>>) src(%dma_wait3A_78 : memref<2048x8xf32, #tpu.memory_space<hbm>>) dst(%dma_wait3A_76 : memref<2048x8xf32, #tpu.memory_space<vmem>>)
    %iota3A = tpu.iota {dimensions = array<i32: 0>} : vector<16xi32>
    %scan3A = arith.constant 0 : i32
    %scan3A_79 = arith.constant 0 : i32
    %scan3A_80 = arith.constant 128 : i32
    %scan3A_81 = arith.addi %scan3A_79, %scan3A_80 : i32
    %scan3A_82 = arith.constant 1 : i32
    scf.for %scan3A_92 = %scan3A_79 to %scan3A_81 step %scan3A_82  : i32 {
      %mul3A_93 = arith.constant 16 : i32
      %mul3A_94 = arith.muli %scan3A_92, %mul3A_93 : i32
      %add3A_95 = vector.broadcast %mul3A_94 : i32 to vector<16xi32>
      %add3A_96 = arith.addi %add3A_95, %iota3A : vector<16xi32>
      %broadcast_in_dim3A = arith.constant 0 : i32
      %broadcast_in_dim3A_97 = vector.broadcast %broadcast_in_dim3A : i32 to vector<16xi32>
      %broadcast_in_dim3A_98 = arith.constant 4 : i32
      %broadcast_in_dim3A_99 = vector.broadcast %broadcast_in_dim3A_98 : i32 to vector<16xi32>
      %gather3A = tpu.vector_load_idx %arg4[%broadcast_in_dim3A_97, %add3A_96, %broadcast_in_dim3A_99] : memref<3x2048x8xf32, #tpu.memory_space<vmem>>[vector<16xi32>, vector<16xi32>, vector<16xi32>], vector<16xf32>,
      %mul3A_100 = arith.constant 16 : i32
      %mul3A_101 = arith.muli %scan3A_92, %mul3A_100 : i32
      %swap3A = arith.constant 0 : i32
      %swap3A_102 = arith.index_cast %swap3A : i32 to index
      %swap3A_103 = arith.index_cast %mul3A_101 : i32 to index
      %swap3A_104 = tpu.vector_load %arg5[%swap3A_102, %swap3A_103] {strides = array<i32>} : memref<3x2048xf32, #tpu.memory_space<vmem>>, vector<16xf32>,
      tpu.vector_store %arg5[%swap3A_102, %swap3A_103], %gather3A {strides = array<i32>} : memref<3x2048xf32, #tpu.memory_space<vmem>>, vector<16xf32>,
      %broadcast_in_dim3A_105 = arith.constant 1 : i32
      %broadcast_in_dim3A_106 = vector.broadcast %broadcast_in_dim3A_105 : i32 to vector<16xi32>
      %broadcast_in_dim3A_107 = arith.constant 1 : i32
      %broadcast_in_dim3A_108 = vector.broadcast %broadcast_in_dim3A_107 : i32 to vector<16xi32>
      %gather3A_109 = tpu.vector_load_idx %arg4[%broadcast_in_dim3A_106, %add3A_96, %broadcast_in_dim3A_108] : memref<3x2048x8xf32, #tpu.memory_space<vmem>>[vector<16xi32>, vector<16xi32>, vector<16xi32>], vector<16xf32>,
      %mul3A_110 = arith.constant 16 : i32
      %mul3A_111 = arith.muli %scan3A_92, %mul3A_110 : i32
      %swap3A_112 = arith.constant 1 : i32
      %swap3A_113 = arith.index_cast %swap3A_112 : i32 to index
      %swap3A_114 = arith.index_cast %mul3A_111 : i32 to index
      %swap3A_115 = tpu.vector_load %arg5[%swap3A_113, %swap3A_114] {strides = array<i32>} : memref<3x2048xf32, #tpu.memory_space<vmem>>, vector<16xf32>,
      tpu.vector_store %arg5[%swap3A_113, %swap3A_114], %gather3A_109 {strides = array<i32>} : memref<3x2048xf32, #tpu.memory_space<vmem>>, vector<16xf32>,
      %broadcast_in_dim3A_116 = arith.constant 2 : i32
      %broadcast_in_dim3A_117 = vector.broadcast %broadcast_in_dim3A_116 : i32 to vector<16xi32>
      %broadcast_in_dim3A_118 = arith.constant 6 : i32
      %broadcast_in_dim3A_119 = vector.broadcast %broadcast_in_dim3A_118 : i32 to vector<16xi32>
      %gather3A_120 = tpu.vector_load_idx %arg4[%broadcast_in_dim3A_117, %add3A_96, %broadcast_in_dim3A_119] : memref<3x2048x8xf32, #tpu.memory_space<vmem>>[vector<16xi32>, vector<16xi32>, vector<16xi32>], vector<16xf32>,
      %mul3A_121 = arith.constant 16 : i32
      %mul3A_122 = arith.muli %scan3A_92, %mul3A_121 : i32
      %swap3A_123 = arith.constant 2 : i32
      %swap3A_124 = arith.index_cast %swap3A_123 : i32 to index
      %swap3A_125 = arith.index_cast %mul3A_122 : i32 to index
      %swap3A_126 = tpu.vector_load %arg5[%swap3A_124, %swap3A_125] {strides = array<i32>} : memref<3x2048xf32, #tpu.memory_space<vmem>>, vector<16xf32>,
      tpu.vector_store %arg5[%swap3A_124, %swap3A_125], %gather3A_120 {strides = array<i32>} : memref<3x2048xf32, #tpu.memory_space<vmem>>, vector<16xf32>,
    }
    %scan3A_83 = arith.constant 128 : i32
    %add3A_84 = arith.constant 0 : i32
    %add3A_85 = arith.addi %add3A_84, %mul3A_2 : i32
    %run_scoped3A = arith.constant 0 : i32
    "tpu.region"() ({
      %run_scoped3A_92 = tpu.sem_alloc : memref<!tpu.dma_semaphore, #tpu.memory_space<semaphore_mem>>
      %dma_start3A_93 = arith.constant 0 : i32
      %dma_start3A_94 = tpu.memref_slice %arg5[%run_scoped3A, %dma_start3A_93] : memref<3x2048xf32, #tpu.memory_space<vmem>> -> memref<1x2048xf32, #tpu.memory_space<vmem>>
      %dma_start3A_95 = tpu.memref_squeeze %dma_start3A_94 : memref<1x2048xf32, #tpu.memory_space<vmem>> -> memref<2048xf32, #tpu.memory_space<vmem>>
      %dma_start3A_96 = tpu.memref_slice %arg3[%add3A_85] : memref<196608xf32, #tpu.memory_space<hbm>> -> memref<2048xf32, #tpu.memory_space<hbm>>
      %dma_start3A_97 = tpu.memref_slice %arg3[%add3A_85] : memref<196608xf32, #tpu.memory_space<hbm>> -> memref<2048xf32, #tpu.memory_space<hbm>>
      %dma_start3A_98 = arith.constant 0 : i32
      %dma_start3A_99 = tpu.memref_slice %arg5[%run_scoped3A, %dma_start3A_98] : memref<3x2048xf32, #tpu.memory_space<vmem>> -> memref<1x2048xf32, #tpu.memory_space<vmem>>
      %dma_start3A_100 = tpu.memref_squeeze %dma_start3A_99 : memref<1x2048xf32, #tpu.memory_space<vmem>> -> memref<2048xf32, #tpu.memory_space<vmem>>
      tpu.enqueue_dma source(%dma_start3A_100 : memref<2048xf32, #tpu.memory_space<vmem>>) target(%dma_start3A_97 : memref<2048xf32, #tpu.memory_space<hbm>>) target_semaphore(%run_scoped3A_92 : memref<!tpu.dma_semaphore, #tpu.memory_space<semaphore_mem>>)
      %dma_wait3A_101 = arith.constant 0 : i32
      %dma_wait3A_102 = tpu.memref_slice %arg5[%run_scoped3A, %dma_wait3A_101] : memref<3x2048xf32, #tpu.memory_space<vmem>> -> memref<1x2048xf32, #tpu.memory_space<vmem>>
      %dma_wait3A_103 = tpu.memref_squeeze %dma_wait3A_102 : memref<1x2048xf32, #tpu.memory_space<vmem>> -> memref<2048xf32, #tpu.memory_space<vmem>>
      %dma_wait3A_104 = tpu.memref_slice %arg3[%add3A_85] : memref<196608xf32, #tpu.memory_space<hbm>> -> memref<2048xf32, #tpu.memory_space<hbm>>
      %dma_wait3A_105 = tpu.memref_slice %arg3[%add3A_85] : memref<196608xf32, #tpu.memory_space<hbm>> -> memref<2048xf32, #tpu.memory_space<hbm>>
      %dma_wait3A_106 = arith.constant 0 : i32
      %dma_wait3A_107 = tpu.memref_slice %arg5[%run_scoped3A, %dma_wait3A_106] : memref<3x2048xf32, #tpu.memory_space<vmem>> -> memref<1x2048xf32, #tpu.memory_space<vmem>>
      %dma_wait3A_108 = tpu.memref_squeeze %dma_wait3A_107 : memref<1x2048xf32, #tpu.memory_space<vmem>> -> memref<2048xf32, #tpu.memory_space<vmem>>
      tpu.wait_dma2 semaphore(%run_scoped3A_92 : memref<!tpu.dma_semaphore, #tpu.memory_space<semaphore_mem>>) src(%dma_wait3A_108 : memref<2048xf32, #tpu.memory_space<vmem>>) dst(%dma_wait3A_105 : memref<2048xf32, #tpu.memory_space<hbm>>)
      tpu.yield
    }) : () -> ()
    %add3A_86 = arith.constant 65536 : i32
    %add3A_87 = arith.addi %add3A_86, %mul3A_2 : i32
    %run_scoped3A_88 = arith.constant 1 : i32
    "tpu.region"() ({
      %run_scoped3A_92 = tpu.sem_alloc : memref<!tpu.dma_semaphore, #tpu.memory_space<semaphore_mem>>
      %dma_start3A_93 = arith.constant 0 : i32
      %dma_start3A_94 = tpu.memref_slice %arg5[%run_scoped3A_88, %dma_start3A_93] : memref<3x2048xf32, #tpu.memory_space<vmem>> -> memref<1x2048xf32, #tpu.memory_space<vmem>>
      %dma_start3A_95 = tpu.memref_squeeze %dma_start3A_94 : memref<1x2048xf32, #tpu.memory_space<vmem>> -> memref<2048xf32, #tpu.memory_space<vmem>>
      %dma_start3A_96 = tpu.memref_slice %arg3[%add3A_87] : memref<196608xf32, #tpu.memory_space<hbm>> -> memref<2048xf32, #tpu.memory_space<hbm>>
      %dma_start3A_97 = tpu.memref_slice %arg3[%add3A_87] : memref<196608xf32, #tpu.memory_space<hbm>> -> memref<2048xf32, #tpu.memory_space<hbm>>
      %dma_start3A_98 = arith.constant 0 : i32
      %dma_start3A_99 = tpu.memref_slice %arg5[%run_scoped3A_88, %dma_start3A_98] : memref<3x2048xf32, #tpu.memory_space<vmem>> -> memref<1x2048xf32, #tpu.memory_space<vmem>>
      %dma_start3A_100 = tpu.memref_squeeze %dma_start3A_99 : memref<1x2048xf32, #tpu.memory_space<vmem>> -> memref<2048xf32, #tpu.memory_space<vmem>>
      tpu.enqueue_dma source(%dma_start3A_100 : memref<2048xf32, #tpu.memory_space<vmem>>) target(%dma_start3A_97 : memref<2048xf32, #tpu.memory_space<hbm>>) target_semaphore(%run_scoped3A_92 : memref<!tpu.dma_semaphore, #tpu.memory_space<semaphore_mem>>)
      %dma_wait3A_101 = arith.constant 0 : i32
      %dma_wait3A_102 = tpu.memref_slice %arg5[%run_scoped3A_88, %dma_wait3A_101] : memref<3x2048xf32, #tpu.memory_space<vmem>> -> memref<1x2048xf32, #tpu.memory_space<vmem>>
      %dma_wait3A_103 = tpu.memref_squeeze %dma_wait3A_102 : memref<1x2048xf32, #tpu.memory_space<vmem>> -> memref<2048xf32, #tpu.memory_space<vmem>>
      %dma_wait3A_104 = tpu.memref_slice %arg3[%add3A_87] : memref<196608xf32, #tpu.memory_space<hbm>> -> memref<2048xf32, #tpu.memory_space<hbm>>
      %dma_wait3A_105 = tpu.memref_slice %arg3[%add3A_87] : memref<196608xf32, #tpu.memory_space<hbm>> -> memref<2048xf32, #tpu.memory_space<hbm>>
      %dma_wait3A_106 = arith.constant 0 : i32
      %dma_wait3A_107 = tpu.memref_slice %arg5[%run_scoped3A_88, %dma_wait3A_106] : memref<3x2048xf32, #tpu.memory_space<vmem>> -> memref<1x2048xf32, #tpu.memory_space<vmem>>
      %dma_wait3A_108 = tpu.memref_squeeze %dma_wait3A_107 : memref<1x2048xf32, #tpu.memory_space<vmem>> -> memref<2048xf32, #tpu.memory_space<vmem>>
      tpu.wait_dma2 semaphore(%run_scoped3A_92 : memref<!tpu.dma_semaphore, #tpu.memory_space<semaphore_mem>>) src(%dma_wait3A_108 : memref<2048xf32, #tpu.memory_space<vmem>>) dst(%dma_wait3A_105 : memref<2048xf32, #tpu.memory_space<hbm>>)
      tpu.yield
    }) : () -> ()
    %add3A_89 = arith.constant 131072 : i32
    %add3A_90 = arith.addi %add3A_89, %mul3A_2 : i32
    %run_scoped3A_91 = arith.constant 2 : i32
    "tpu.region"() ({
      %run_scoped3A_92 = tpu.sem_alloc : memref<!tpu.dma_semaphore, #tpu.memory_space<semaphore_mem>>
      %dma_start3A_93 = arith.constant 0 : i32
      %dma_start3A_94 = tpu.memref_slice %arg5[%run_scoped3A_91, %dma_start3A_93] : memref<3x2048xf32, #tpu.memory_space<vmem>> -> memref<1x2048xf32, #tpu.memory_space<vmem>>
      %dma_start3A_95 = tpu.memref_squeeze %dma_start3A_94 : memref<1x2048xf32, #tpu.memory_space<vmem>> -> memref<2048xf32, #tpu.memory_space<vmem>>
      %dma_start3A_96 = tpu.memref_slice %arg3[%add3A_90] : memref<196608xf32, #tpu.memory_space<hbm>> -> memref<2048xf32, #tpu.memory_space<hbm>>
      %dma_start3A_97 = tpu.memref_slice %arg3[%add3A_90] : memref<196608xf32, #tpu.memory_space<hbm>> -> memref<2048xf32, #tpu.memory_space<hbm>>
      %dma_start3A_98 = arith.constant 0 : i32
      %dma_start3A_99 = tpu.memref_slice %arg5[%run_scoped3A_91, %dma_start3A_98] : memref<3x2048xf32, #tpu.memory_space<vmem>> -> memref<1x2048xf32, #tpu.memory_space<vmem>>
      %dma_start3A_100 = tpu.memref_squeeze %dma_start3A_99 : memref<1x2048xf32, #tpu.memory_space<vmem>> -> memref<2048xf32, #tpu.memory_space<vmem>>
      tpu.enqueue_dma source(%dma_start3A_100 : memref<2048xf32, #tpu.memory_space<vmem>>) target(%dma_start3A_97 : memref<2048xf32, #tpu.memory_space<hbm>>) target_semaphore(%run_scoped3A_92 : memref<!tpu.dma_semaphore, #tpu.memory_space<semaphore_mem>>)
      %dma_wait3A_101 = arith.constant 0 : i32
      %dma_wait3A_102 = tpu.memref_slice %arg5[%run_scoped3A_91, %dma_wait3A_101] : memref<3x2048xf32, #tpu.memory_space<vmem>> -> memref<1x2048xf32, #tpu.memory_space<vmem>>
      %dma_wait3A_103 = tpu.memref_squeeze %dma_wait3A_102 : memref<1x2048xf32, #tpu.memory_space<vmem>> -> memref<2048xf32, #tpu.memory_space<vmem>>
      %dma_wait3A_104 = tpu.memref_slice %arg3[%add3A_90] : memref<196608xf32, #tpu.memory_space<hbm>> -> memref<2048xf32, #tpu.memory_space<hbm>>
      %dma_wait3A_105 = tpu.memref_slice %arg3[%add3A_90] : memref<196608xf32, #tpu.memory_space<hbm>> -> memref<2048xf32, #tpu.memory_space<hbm>>
      %dma_wait3A_106 = arith.constant 0 : i32
      %dma_wait3A_107 = tpu.memref_slice %arg5[%run_scoped3A_91, %dma_wait3A_106] : memref<3x2048xf32, #tpu.memory_space<vmem>> -> memref<1x2048xf32, #tpu.memory_space<vmem>>
      %dma_wait3A_108 = tpu.memref_squeeze %dma_wait3A_107 : memref<1x2048xf32, #tpu.memory_space<vmem>> -> memref<2048xf32, #tpu.memory_space<vmem>>
      tpu.wait_dma2 semaphore(%run_scoped3A_92 : memref<!tpu.dma_semaphore, #tpu.memory_space<semaphore_mem>>) src(%dma_wait3A_108 : memref<2048xf32, #tpu.memory_space<vmem>>) dst(%dma_wait3A_105 : memref<2048xf32, #tpu.memory_space<hbm>>)
      tpu.yield
    }) : () -> ()
    return
  }
}

module attributes {stable_mosaic.version = 14 : i64} {
  func.func @_body(%arg0: memref<5x256xf32, #tpu.memory_space<vmem>>, %arg1: memref<256x5xf32, #tpu.memory_space<vmem>>, %arg2: memref<2x3xf32, #tpu.memory_space<smem>>, %arg3: memref<256xi32, #tpu.memory_space<smem>>, %arg4: memref<256xi32, #tpu.memory_space<smem>>, %arg5: memref<16x4096x255xf32, #tpu.memory_space<hbm>>, %arg6: memref<1536x128xf32, #tpu.memory_space<vmem>>, %arg7: memref<1x1xf32, #tpu.memory_space<smem>>, %arg8: memref<256x8x255xf32, #tpu.memory_space<vmem>>, %arg9: memref<!tpu.dma_semaphore, #tpu.memory_space<semaphore_mem>>) attributes {dimension_semantics = [], scalar_prefetch = 0 : i64, scratch_operands = 2 : i64, tpu.core_type = #tpu.core_type<tc>} {
    %scan3A = arith.constant 0 : i32
    %scan3A_0 = arith.constant 256 : i32
    %scan3A_1 = arith.addi %scan3A, %scan3A_0 : i32
    %scan3A_2 = arith.constant 1 : i32
    scf.for %scan3A_669 = %scan3A to %scan3A_1 step %scan3A_2  : i32 {
      %get3A_670 = arith.index_cast %scan3A_669 : i32 to index
      %get3A_671 = memref.load %arg3[%get3A_670] : memref<256xi32, #tpu.memory_space<smem>>
      %get3A_672 = arith.index_cast %scan3A_669 : i32 to index
      %get3A_673 = memref.load %arg4[%get3A_672] : memref<256xi32, #tpu.memory_space<smem>>
      %jit3A_674 = arith.constant 8 : i32
      %div3A_675 = arith.divsi %get3A_673, %jit3A_674 : i32
      %sign3A = arith.constant 0 : i32
      %sign3A_676 = arith.cmpi sgt, %get3A_673, %sign3A : i32
      %sign3A_677 = arith.extui %sign3A_676 : i1 to i32
      %sign3A_678 = arith.constant 0 : i32
      %sign3A_679 = arith.cmpi slt, %get3A_673, %sign3A_678 : i32
      %sign3A_680 = arith.extui %sign3A_679 : i1 to i32
      %sign3A_681 = arith.subi %sign3A_677, %sign3A_680 : i32
      %sign3A_682 = arith.constant 0 : i32
      %sign3A_683 = arith.cmpi sgt, %jit3A_674, %sign3A_682 : i32
      %sign3A_684 = arith.extui %sign3A_683 : i1 to i32
      %sign3A_685 = arith.constant 0 : i32
      %sign3A_686 = arith.cmpi slt, %jit3A_674, %sign3A_685 : i32
      %sign3A_687 = arith.extui %sign3A_686 : i1 to i32
      %sign3A_688 = arith.subi %sign3A_684, %sign3A_687 : i32
      %ne3A_689 = arith.cmpi ne, %sign3A_681, %sign3A_688 : i32
      %rem3A_690 = arith.remsi %get3A_673, %jit3A_674 : i32
      %ne3A_691 = arith.constant 0 : i32
      %ne3A_692 = arith.cmpi ne, %rem3A_690, %ne3A_691 : i32
      %and3A_693 = arith.andi %ne3A_689, %ne3A_692 : i1
      %sub3A_694 = arith.constant 1 : i32
      %sub3A_695 = arith.subi %div3A_675, %sub3A_694 : i32
      %select_n3A_696 = arith.select %and3A_693, %sub3A_695, %div3A_675 : i32
      %mul3A_697 = arith.constant 8 : i32
      %mul3A_698 = arith.muli %select_n3A_696, %mul3A_697 : i32
      %multiple_of3A = tpu.assume_multiple %mul3A_698, 8 : i32
      %dma_start3A = arith.constant 0 : i32
      %dma_start3A_699 = arith.constant 0 : i32
      %dma_start3A_700 = tpu.memref_slice %arg8[%scan3A_669, %dma_start3A, %dma_start3A_699] : memref<256x8x255xf32, #tpu.memory_space<vmem>> -> memref<1x8x255xf32, #tpu.memory_space<vmem>>
      %dma_start3A_701 = tpu.memref_squeeze %dma_start3A_700 : memref<1x8x255xf32, #tpu.memory_space<vmem>> -> memref<8x255xf32, #tpu.memory_space<vmem>>
      %dma_start3A_702 = arith.constant 0 : i32
      %dma_start3A_703 = tpu.memref_slice %arg5[%get3A_671, %multiple_of3A, %dma_start3A_702] : memref<16x4096x255xf32, #tpu.memory_space<hbm>> -> memref<1x8x255xf32, #tpu.memory_space<hbm>>
      %dma_start3A_704 = tpu.memref_squeeze %dma_start3A_703 : memref<1x8x255xf32, #tpu.memory_space<hbm>> -> memref<8x255xf32, #tpu.memory_space<hbm>>
      tpu.enqueue_dma source(%dma_start3A_704 : memref<8x255xf32, #tpu.memory_space<hbm>>) target(%dma_start3A_701 : memref<8x255xf32, #tpu.memory_space<vmem>>) target_semaphore(%arg9 : memref<!tpu.dma_semaphore, #tpu.memory_space<semaphore_mem>>)
    }
    %scan3A_3 = arith.constant 256 : i32
    %get3A = arith.constant 1 : index
    %get3A_4 = arith.constant 0 : index
    %get3A_5 = vector.load %arg0[%get3A, %get3A_4] : memref<5x256xf32, #tpu.memory_space<vmem>>, vector<1x256xf32>
    %mul3A = arith.constant 6.400000e+01 : f32
    %mul3A_6 = vector.broadcast %mul3A : f32 to vector<1x256xf32>
    %mul3A_7 = arith.mulf %get3A_5, %mul3A_6 : vector<1x256xf32>
    %get3A_8 = arith.constant 2 : index
    %get3A_9 = arith.constant 0 : index
    %get3A_10 = vector.load %arg0[%get3A_8, %get3A_9] : memref<5x256xf32, #tpu.memory_space<vmem>>, vector<1x256xf32>
    %mul3A_11 = arith.constant 6.400000e+01 : f32
    %mul3A_12 = vector.broadcast %mul3A_11 : f32 to vector<1x256xf32>
    %mul3A_13 = arith.mulf %get3A_10, %mul3A_12 : vector<1x256xf32>
    %get3A_14 = arith.constant 3 : index
    %get3A_15 = arith.constant 0 : index
    %get3A_16 = vector.load %arg0[%get3A_14, %get3A_15] : memref<5x256xf32, #tpu.memory_space<vmem>>, vector<1x256xf32>
    %mul3A_17 = arith.constant 6.400000e+01 : f32
    %mul3A_18 = vector.broadcast %mul3A_17 : f32 to vector<1x256xf32>
    %mul3A_19 = arith.mulf %get3A_16, %mul3A_18 : vector<1x256xf32>
    %get3A_20 = arith.constant 4 : index
    %get3A_21 = arith.constant 0 : index
    %get3A_22 = vector.load %arg0[%get3A_20, %get3A_21] : memref<5x256xf32, #tpu.memory_space<vmem>>, vector<1x256xf32>
    %mul3A_23 = arith.constant 6.400000e+01 : f32
    %mul3A_24 = vector.broadcast %mul3A_23 : f32 to vector<1x256xf32>
    %mul3A_25 = arith.mulf %get3A_22, %mul3A_24 : vector<1x256xf32>
    %get3A_26 = arith.constant 0 : index
    %get3A_27 = arith.constant 3 : index
    %get3A_28 = vector.load %arg1[%get3A_26, %get3A_27] : memref<256x5xf32, #tpu.memory_space<vmem>>, vector<256x1xf32>
    %mul3A_29 = arith.constant 6.400000e+01 : f32
    %mul3A_30 = vector.broadcast %mul3A_29 : f32 to vector<256x1xf32>
    %mul3A_31 = arith.mulf %get3A_28, %mul3A_30 : vector<256x1xf32>
    %get3A_32 = arith.constant 0 : index
    %get3A_33 = arith.constant 4 : index
    %get3A_34 = vector.load %arg1[%get3A_32, %get3A_33] : memref<256x5xf32, #tpu.memory_space<vmem>>, vector<256x1xf32>
    %mul3A_35 = arith.constant 6.400000e+01 : f32
    %mul3A_36 = vector.broadcast %mul3A_35 : f32 to vector<256x1xf32>
    %mul3A_37 = arith.mulf %get3A_34, %mul3A_36 : vector<256x1xf32>
    %get3A_38 = arith.constant 0 : index
    %get3A_39 = arith.constant 0 : index
    %get3A_40 = memref.load %arg2[%get3A_38, %get3A_39] : memref<2x3xf32, #tpu.memory_space<smem>>
    %get3A_41 = arith.constant 1 : index
    %get3A_42 = arith.constant 0 : index
    %get3A_43 = memref.load %arg2[%get3A_41, %get3A_42] : memref<2x3xf32, #tpu.memory_space<smem>>
    %min3A = vector.broadcast %get3A_40 : f32 to vector<1x256xf32>
    %min3A_44 = arith.minimumf %mul3A_19, %min3A : vector<1x256xf32>
    %min3A_45 = vector.broadcast %get3A_43 : f32 to vector<1x256xf32>
    %min3A_46 = arith.minimumf %mul3A_25, %min3A_45 : vector<1x256xf32>
    %mul3A_47 = arith.mulf %min3A_44, %min3A_46 : vector<1x256xf32>
    %mul3A_48 = arith.mulf %mul3A_19, %mul3A_25 : vector<1x256xf32>
    %mul3A_49 = arith.mulf %get3A_40, %get3A_43 : f32
    %add3A = vector.broadcast %mul3A_49 : f32 to vector<1x256xf32>
    %add3A_50 = arith.addf %mul3A_48, %add3A : vector<1x256xf32>
    %sub3A = arith.subf %add3A_50, %mul3A_47 : vector<1x256xf32>
    %add3A_51 = arith.constant 1.000000e-16 : f32
    %add3A_52 = vector.broadcast %add3A_51 : f32 to vector<1x256xf32>
    %add3A_53 = arith.addf %sub3A, %add3A_52 : vector<1x256xf32>
    %div3A = arith.divf %mul3A_47, %add3A_53 : vector<1x256xf32>
    %get3A_54 = arith.constant 0 : index
    %get3A_55 = arith.constant 1 : index
    %get3A_56 = memref.load %arg2[%get3A_54, %get3A_55] : memref<2x3xf32, #tpu.memory_space<smem>>
    %get3A_57 = arith.constant 1 : index
    %get3A_58 = arith.constant 1 : index
    %get3A_59 = memref.load %arg2[%get3A_57, %get3A_58] : memref<2x3xf32, #tpu.memory_space<smem>>
    %min3A_60 = vector.broadcast %get3A_56 : f32 to vector<1x256xf32>
    %min3A_61 = arith.minimumf %mul3A_19, %min3A_60 : vector<1x256xf32>
    %min3A_62 = vector.broadcast %get3A_59 : f32 to vector<1x256xf32>
    %min3A_63 = arith.minimumf %mul3A_25, %min3A_62 : vector<1x256xf32>
    %mul3A_64 = arith.mulf %min3A_61, %min3A_63 : vector<1x256xf32>
    %mul3A_65 = arith.mulf %mul3A_19, %mul3A_25 : vector<1x256xf32>
    %mul3A_66 = arith.mulf %get3A_56, %get3A_59 : f32
    %add3A_67 = vector.broadcast %mul3A_66 : f32 to vector<1x256xf32>
    %add3A_68 = arith.addf %mul3A_65, %add3A_67 : vector<1x256xf32>
    %sub3A_69 = arith.subf %add3A_68, %mul3A_64 : vector<1x256xf32>
    %add3A_70 = arith.constant 1.000000e-16 : f32
    %add3A_71 = vector.broadcast %add3A_70 : f32 to vector<1x256xf32>
    %add3A_72 = arith.addf %sub3A_69, %add3A_71 : vector<1x256xf32>
    %div3A_73 = arith.divf %mul3A_64, %add3A_72 : vector<1x256xf32>
    %get3A_74 = arith.constant 0 : index
    %get3A_75 = arith.constant 2 : index
    %get3A_76 = memref.load %arg2[%get3A_74, %get3A_75] : memref<2x3xf32, #tpu.memory_space<smem>>
    %get3A_77 = arith.constant 1 : index
    %get3A_78 = arith.constant 2 : index
    %get3A_79 = memref.load %arg2[%get3A_77, %get3A_78] : memref<2x3xf32, #tpu.memory_space<smem>>
    %min3A_80 = vector.broadcast %get3A_76 : f32 to vector<1x256xf32>
    %min3A_81 = arith.minimumf %mul3A_19, %min3A_80 : vector<1x256xf32>
    %min3A_82 = vector.broadcast %get3A_79 : f32 to vector<1x256xf32>
    %min3A_83 = arith.minimumf %mul3A_25, %min3A_82 : vector<1x256xf32>
    %mul3A_84 = arith.mulf %min3A_81, %min3A_83 : vector<1x256xf32>
    %mul3A_85 = arith.mulf %mul3A_19, %mul3A_25 : vector<1x256xf32>
    %mul3A_86 = arith.mulf %get3A_76, %get3A_79 : f32
    %add3A_87 = vector.broadcast %mul3A_86 : f32 to vector<1x256xf32>
    %add3A_88 = arith.addf %mul3A_85, %add3A_87 : vector<1x256xf32>
    %sub3A_89 = arith.subf %add3A_88, %mul3A_84 : vector<1x256xf32>
    %add3A_90 = arith.constant 1.000000e-16 : f32
    %add3A_91 = vector.broadcast %add3A_90 : f32 to vector<1x256xf32>
    %add3A_92 = arith.addf %sub3A_89, %add3A_91 : vector<1x256xf32>
    %div3A_93 = arith.divf %mul3A_84, %add3A_92 : vector<1x256xf32>
    %get3A_94 = arith.constant 0 : index
    %get3A_95 = arith.constant 0 : index
    %get3A_96 = memref.load %arg2[%get3A_94, %get3A_95] : memref<2x3xf32, #tpu.memory_space<smem>>
    %get3A_97 = arith.constant 1 : index
    %get3A_98 = arith.constant 0 : index
    %get3A_99 = memref.load %arg2[%get3A_97, %get3A_98] : memref<2x3xf32, #tpu.memory_space<smem>>
    %min3A_100 = vector.broadcast %get3A_96 : f32 to vector<256x1xf32>
    %min3A_101 = arith.minimumf %mul3A_31, %min3A_100 : vector<256x1xf32>
    %min3A_102 = vector.broadcast %get3A_99 : f32 to vector<256x1xf32>
    %min3A_103 = arith.minimumf %mul3A_37, %min3A_102 : vector<256x1xf32>
    %mul3A_104 = arith.mulf %min3A_101, %min3A_103 : vector<256x1xf32>
    %mul3A_105 = arith.mulf %mul3A_31, %mul3A_37 : vector<256x1xf32>
    %mul3A_106 = arith.mulf %get3A_96, %get3A_99 : f32
    %add3A_107 = vector.broadcast %mul3A_106 : f32 to vector<256x1xf32>
    %add3A_108 = arith.addf %mul3A_105, %add3A_107 : vector<256x1xf32>
    %sub3A_109 = arith.subf %add3A_108, %mul3A_104 : vector<256x1xf32>
    %add3A_110 = arith.constant 1.000000e-16 : f32
    %add3A_111 = vector.broadcast %add3A_110 : f32 to vector<256x1xf32>
    %add3A_112 = arith.addf %sub3A_109, %add3A_111 : vector<256x1xf32>
    %div3A_113 = arith.divf %mul3A_104, %add3A_112 : vector<256x1xf32>
    %get3A_114 = arith.constant 0 : index
    %get3A_115 = arith.constant 1 : index
    %get3A_116 = memref.load %arg2[%get3A_114, %get3A_115] : memref<2x3xf32, #tpu.memory_space<smem>>
    %get3A_117 = arith.constant 1 : index
    %get3A_118 = arith.constant 1 : index
    %get3A_119 = memref.load %arg2[%get3A_117, %get3A_118] : memref<2x3xf32, #tpu.memory_space<smem>>
    %min3A_120 = vector.broadcast %get3A_116 : f32 to vector<256x1xf32>
    %min3A_121 = arith.minimumf %mul3A_31, %min3A_120 : vector<256x1xf32>
    %min3A_122 = vector.broadcast %get3A_119 : f32 to vector<256x1xf32>
    %min3A_123 = arith.minimumf %mul3A_37, %min3A_122 : vector<256x1xf32>
    %mul3A_124 = arith.mulf %min3A_121, %min3A_123 : vector<256x1xf32>
    %mul3A_125 = arith.mulf %mul3A_31, %mul3A_37 : vector<256x1xf32>
    %mul3A_126 = arith.mulf %get3A_116, %get3A_119 : f32
    %add3A_127 = vector.broadcast %mul3A_126 : f32 to vector<256x1xf32>
    %add3A_128 = arith.addf %mul3A_125, %add3A_127 : vector<256x1xf32>
    %sub3A_129 = arith.subf %add3A_128, %mul3A_124 : vector<256x1xf32>
    %add3A_130 = arith.constant 1.000000e-16 : f32
    %add3A_131 = vector.broadcast %add3A_130 : f32 to vector<256x1xf32>
    %add3A_132 = arith.addf %sub3A_129, %add3A_131 : vector<256x1xf32>
    %div3A_133 = arith.divf %mul3A_124, %add3A_132 : vector<256x1xf32>
    %get3A_134 = arith.constant 0 : index
    %get3A_135 = arith.constant 2 : index
    %get3A_136 = memref.load %arg2[%get3A_134, %get3A_135] : memref<2x3xf32, #tpu.memory_space<smem>>
    %get3A_137 = arith.constant 1 : index
    %get3A_138 = arith.constant 2 : index
    %get3A_139 = memref.load %arg2[%get3A_137, %get3A_138] : memref<2x3xf32, #tpu.memory_space<smem>>
    %min3A_140 = vector.broadcast %get3A_136 : f32 to vector<256x1xf32>
    %min3A_141 = arith.minimumf %mul3A_31, %min3A_140 : vector<256x1xf32>
    %min3A_142 = vector.broadcast %get3A_139 : f32 to vector<256x1xf32>
    %min3A_143 = arith.minimumf %mul3A_37, %min3A_142 : vector<256x1xf32>
    %mul3A_144 = arith.mulf %min3A_141, %min3A_143 : vector<256x1xf32>
    %mul3A_145 = arith.mulf %mul3A_31, %mul3A_37 : vector<256x1xf32>
    %mul3A_146 = arith.mulf %get3A_136, %get3A_139 : f32
    %add3A_147 = vector.broadcast %mul3A_146 : f32 to vector<256x1xf32>
    %add3A_148 = arith.addf %mul3A_145, %add3A_147 : vector<256x1xf32>
    %sub3A_149 = arith.subf %add3A_148, %mul3A_144 : vector<256x1xf32>
    %add3A_150 = arith.constant 1.000000e-16 : f32
    %add3A_151 = vector.broadcast %add3A_150 : f32 to vector<256x1xf32>
    %add3A_152 = arith.addf %sub3A_149, %add3A_151 : vector<256x1xf32>
    %div3A_153 = arith.divf %mul3A_144, %add3A_152 : vector<256x1xf32>
    %broadcast_in_dim3A = arith.constant 0 : i32
    %broadcast_in_dim3A_154 = vector.broadcast %broadcast_in_dim3A : i32 to vector<1x256xi32>
    %gt3A = arith.cmpf ogt, %div3A_73, %div3A : vector<1x256xf32>
    %jit3A = arith.constant 1 : i32
    %broadcast_in_dim3A_155 = vector.broadcast %jit3A : i32 to vector<1x256xi32>
    %select_n3A = arith.select %gt3A, %broadcast_in_dim3A_155, %broadcast_in_dim3A_154 : vector<1x256xi1>, vector<1x256xi32>
    %max3A = arith.maximumf %div3A, %div3A_73 : vector<1x256xf32>
    %gt3A_156 = arith.cmpf ogt, %div3A_93, %max3A : vector<1x256xf32>
    %jit3A_157 = arith.constant 2 : i32
    %broadcast_in_dim3A_158 = vector.broadcast %jit3A_157 : i32 to vector<1x256xi32>
    %select_n3A_159 = arith.select %gt3A_156, %broadcast_in_dim3A_158, %select_n3A : vector<1x256xi1>, vector<1x256xi32>
    %broadcast_in_dim3A_160 = arith.constant 0 : i32
    %broadcast_in_dim3A_161 = vector.broadcast %broadcast_in_dim3A_160 : i32 to vector<256x1xi32>
    %gt3A_162 = arith.cmpf ogt, %div3A_133, %div3A_113 : vector<256x1xf32>
    %jit3A_163 = arith.constant 1 : i32
    %broadcast_in_dim3A_164 = vector.broadcast %jit3A_163 : i32 to vector<256x1xi32>
    %select_n3A_165 = arith.select %gt3A_162, %broadcast_in_dim3A_164, %broadcast_in_dim3A_161 : vector<256x1xi1>, vector<256x1xi32>
    %max3A_166 = arith.maximumf %div3A_113, %div3A_133 : vector<256x1xf32>
    %gt3A_167 = arith.cmpf ogt, %div3A_153, %max3A_166 : vector<256x1xf32>
    %jit3A_168 = arith.constant 2 : i32
    %broadcast_in_dim3A_169 = vector.broadcast %jit3A_168 : i32 to vector<256x1xi32>
    %select_n3A_170 = arith.select %gt3A_167, %broadcast_in_dim3A_169, %select_n3A_165 : vector<256x1xi1>, vector<256x1xi32>
    %gt3A_171 = arith.constant 5.000000e-01 : f32
    %gt3A_172 = vector.broadcast %gt3A_171 : f32 to vector<1x256xf32>
    %gt3A_173 = arith.cmpf ogt, %div3A, %gt3A_172 : vector<1x256xf32>
    %eq3A = arith.constant 0 : i32
    %eq3A_174 = vector.broadcast %eq3A : i32 to vector<1x256xi32>
    %eq3A_175 = arith.cmpi eq, %select_n3A_159, %eq3A_174 : vector<1x256xi32>
    %or3A = arith.ori %gt3A_173, %eq3A_175 : vector<1x256xi1>
    %gt3A_176 = arith.constant 5.000000e-01 : f32
    %gt3A_177 = vector.broadcast %gt3A_176 : f32 to vector<1x256xf32>
    %gt3A_178 = arith.cmpf ogt, %div3A_73, %gt3A_177 : vector<1x256xf32>
    %eq3A_179 = arith.constant 1 : i32
    %eq3A_180 = vector.broadcast %eq3A_179 : i32 to vector<1x256xi32>
    %eq3A_181 = arith.cmpi eq, %select_n3A_159, %eq3A_180 : vector<1x256xi32>
    %or3A_182 = arith.ori %gt3A_178, %eq3A_181 : vector<1x256xi1>
    %gt3A_183 = arith.constant 5.000000e-01 : f32
    %gt3A_184 = vector.broadcast %gt3A_183 : f32 to vector<1x256xf32>
    %gt3A_185 = arith.cmpf ogt, %div3A_93, %gt3A_184 : vector<1x256xf32>
    %eq3A_186 = arith.constant 2 : i32
    %eq3A_187 = vector.broadcast %eq3A_186 : i32 to vector<1x256xi32>
    %eq3A_188 = arith.cmpi eq, %select_n3A_159, %eq3A_187 : vector<1x256xi32>
    %or3A_189 = arith.ori %gt3A_185, %eq3A_188 : vector<1x256xi1>
    %gt3A_190 = arith.constant 5.000000e-01 : f32
    %gt3A_191 = vector.broadcast %gt3A_190 : f32 to vector<256x1xf32>
    %gt3A_192 = arith.cmpf ogt, %div3A_113, %gt3A_191 : vector<256x1xf32>
    %eq3A_193 = arith.constant 0 : i32
    %eq3A_194 = vector.broadcast %eq3A_193 : i32 to vector<256x1xi32>
    %eq3A_195 = arith.cmpi eq, %select_n3A_170, %eq3A_194 : vector<256x1xi32>
    %or3A_196 = arith.ori %gt3A_192, %eq3A_195 : vector<256x1xi1>
    %gt3A_197 = arith.constant 5.000000e-01 : f32
    %gt3A_198 = vector.broadcast %gt3A_197 : f32 to vector<256x1xf32>
    %gt3A_199 = arith.cmpf ogt, %div3A_133, %gt3A_198 : vector<256x1xf32>
    %eq3A_200 = arith.constant 1 : i32
    %eq3A_201 = vector.broadcast %eq3A_200 : i32 to vector<256x1xi32>
    %eq3A_202 = arith.cmpi eq, %select_n3A_170, %eq3A_201 : vector<256x1xi32>
    %or3A_203 = arith.ori %gt3A_199, %eq3A_202 : vector<256x1xi1>
    %gt3A_204 = arith.constant 5.000000e-01 : f32
    %gt3A_205 = vector.broadcast %gt3A_204 : f32 to vector<256x1xf32>
    %gt3A_206 = arith.cmpf ogt, %div3A_153, %gt3A_205 : vector<256x1xf32>
    %eq3A_207 = arith.constant 2 : i32
    %eq3A_208 = vector.broadcast %eq3A_207 : i32 to vector<256x1xi32>
    %eq3A_209 = arith.cmpi eq, %select_n3A_170, %eq3A_208 : vector<256x1xi32>
    %or3A_210 = arith.ori %gt3A_206, %eq3A_209 : vector<256x1xi1>
    %get3A_211 = arith.constant 0 : index
    %get3A_212 = arith.constant 1 : index
    %get3A_213 = vector.load %arg1[%get3A_211, %get3A_212] : memref<256x5xf32, #tpu.memory_space<vmem>>, vector<256x1xf32>
    %mul3A_214 = arith.constant 6.400000e+01 : f32
    %mul3A_215 = vector.broadcast %mul3A_214 : f32 to vector<256x1xf32>
    %mul3A_216 = arith.mulf %get3A_213, %mul3A_215 : vector<256x1xf32>
    %get3A_217 = arith.constant 0 : index
    %get3A_218 = arith.constant 2 : index
    %get3A_219 = vector.load %arg1[%get3A_217, %get3A_218] : memref<256x5xf32, #tpu.memory_space<vmem>>, vector<256x1xf32>
    %mul3A_220 = arith.constant 6.400000e+01 : f32
    %mul3A_221 = vector.broadcast %mul3A_220 : f32 to vector<256x1xf32>
    %mul3A_222 = arith.mulf %get3A_219, %mul3A_221 : vector<256x1xf32>
    %get3A_223 = arith.constant 0 : index
    %get3A_224 = arith.constant 0 : index
    %get3A_225 = vector.load %arg0[%get3A_223, %get3A_224] : memref<5x256xf32, #tpu.memory_space<vmem>>, vector<1x256xf32>
    %mul3A_226 = arith.constant 6.400000e+01 : f32
    %mul3A_227 = vector.broadcast %mul3A_226 : f32 to vector<1x256xf32>
    %mul3A_228 = arith.mulf %get3A_225, %mul3A_227 : vector<1x256xf32>
    %floor3A = math.floor %mul3A_13 : vector<1x256xf32>
    %add3A_229 = arith.addf %mul3A_228, %floor3A : vector<1x256xf32>
    %mul3A_230 = arith.constant 6.400000e+01 : f32
    %mul3A_231 = vector.broadcast %mul3A_230 : f32 to vector<1x256xf32>
    %mul3A_232 = arith.mulf %add3A_229, %mul3A_231 : vector<1x256xf32>
    %floor3A_233 = math.floor %mul3A_7 : vector<1x256xf32>
    %add3A_234 = arith.addf %mul3A_232, %floor3A_233 : vector<1x256xf32>
    %get3A_235 = arith.constant 0 : index
    %get3A_236 = arith.constant 0 : index
    %get3A_237 = vector.load %arg1[%get3A_235, %get3A_236] : memref<256x5xf32, #tpu.memory_space<vmem>>, vector<256x1xf32>
    %mul3A_238 = arith.constant 6.400000e+01 : f32
    %mul3A_239 = vector.broadcast %mul3A_238 : f32 to vector<256x1xf32>
    %mul3A_240 = arith.mulf %get3A_237, %mul3A_239 : vector<256x1xf32>
    %floor3A_241 = math.floor %mul3A_222 : vector<256x1xf32>
    %add3A_242 = arith.addf %mul3A_240, %floor3A_241 : vector<256x1xf32>
    %mul3A_243 = arith.constant 6.400000e+01 : f32
    %mul3A_244 = vector.broadcast %mul3A_243 : f32 to vector<256x1xf32>
    %mul3A_245 = arith.mulf %add3A_242, %mul3A_244 : vector<256x1xf32>
    %floor3A_246 = math.floor %mul3A_216 : vector<256x1xf32>
    %add3A_247 = arith.addf %mul3A_245, %floor3A_246 : vector<256x1xf32>
    %iota3A = tpu.iota {dimensions = array<i32: 1>} : vector<256x256xi32>
    %iota3A_248 = tpu.iota {dimensions = array<i32: 0>} : vector<256x256xi32>
    %gt3A_249 = arith.cmpi sgt, %iota3A_248, %iota3A : vector<256x256xi32>
    %eq3A_250 = vector.broadcast %add3A_234 : vector<1x256xf32> to vector<256x256xf32>
    %eq3A_251 = vector.broadcast %add3A_247 : vector<256x1xf32> to vector<256x256xf32>
    %eq3A_252 = arith.cmpf oeq, %eq3A_250, %eq3A_251 : vector<256x256xf32>
    %and3A = arith.andi %eq3A_252, %gt3A_249 : vector<256x256xi1>
    %eq3A_253 = vector.broadcast %select_n3A_159 : vector<1x256xi32> to vector<256x256xi32>
    %eq3A_254 = vector.broadcast %select_n3A_170 : vector<256x1xi32> to vector<256x256xi32>
    %eq3A_255 = arith.cmpi eq, %eq3A_253, %eq3A_254 : vector<256x256xi32>
    %and3A_256 = arith.andi %and3A, %eq3A_255 : vector<256x256xi1>
    %reduce_or3A = arith.constant 1.000000e+00 : f32
    %reduce_or3A_257 = arith.constant 0.000000e+00 : f32
    %reduce_or3A_258 = vector.broadcast %reduce_or3A : f32 to vector<256x256xf32>
    %reduce_or3A_259 = vector.broadcast %reduce_or3A_257 : f32 to vector<256x256xf32>
    %reduce_or3A_260 = arith.select %and3A_256, %reduce_or3A_258, %reduce_or3A_259 : vector<256x256xi1>, vector<256x256xf32>
    %reduce_or3A_261 = arith.constant dense<0xFF800000> : vector<256xf32>
    %reduce_or3A_262 = vector.multi_reduction <maximumf>, %reduce_or3A_260, %reduce_or3A_261 [0] : vector<256x256xf32> to vector<256xf32>
    %reduce_or3A_263 = arith.constant 0.000000e+00 : f32
    %reduce_or3A_264 = vector.broadcast %reduce_or3A_263 : f32 to vector<256xf32>
    %reduce_or3A_265 = arith.cmpf ogt, %reduce_or3A_262, %reduce_or3A_264 : vector<256xf32>
    %broadcast_in_dim3A_266 = vector.shape_cast %reduce_or3A_265 : vector<256xi1> to vector<1x256xi1>
    %not3A = arith.constant dense<true> : vector<1x256xi1>
    %not3A_267 = arith.xori %broadcast_in_dim3A_266, %not3A : vector<1x256xi1>
    %and3A_268 = vector.broadcast %or3A_196 : vector<256x1xi1> to vector<256x256xi1>
    %and3A_269 = arith.andi %and3A, %and3A_268 : vector<256x256xi1>
    %reduce_or3A_270 = arith.constant 1.000000e+00 : f32
    %reduce_or3A_271 = arith.constant 0.000000e+00 : f32
    %reduce_or3A_272 = vector.broadcast %reduce_or3A_270 : f32 to vector<256x256xf32>
    %reduce_or3A_273 = vector.broadcast %reduce_or3A_271 : f32 to vector<256x256xf32>
    %reduce_or3A_274 = arith.select %and3A_269, %reduce_or3A_272, %reduce_or3A_273 : vector<256x256xi1>, vector<256x256xf32>
    %reduce_or3A_275 = arith.constant dense<0xFF800000> : vector<256xf32>
    %reduce_or3A_276 = vector.multi_reduction <maximumf>, %reduce_or3A_274, %reduce_or3A_275 [0] : vector<256x256xf32> to vector<256xf32>
    %reduce_or3A_277 = arith.constant 0.000000e+00 : f32
    %reduce_or3A_278 = vector.broadcast %reduce_or3A_277 : f32 to vector<256xf32>
    %reduce_or3A_279 = arith.cmpf ogt, %reduce_or3A_276, %reduce_or3A_278 : vector<256xf32>
    %broadcast_in_dim3A_280 = vector.shape_cast %reduce_or3A_279 : vector<256xi1> to vector<1x256xi1>
    %not3A_281 = arith.constant dense<true> : vector<1x256xi1>
    %not3A_282 = arith.xori %broadcast_in_dim3A_280, %not3A_281 : vector<1x256xi1>
    %and3A_283 = arith.andi %or3A, %not3A_282 : vector<1x256xi1>
    %and3A_284 = vector.broadcast %or3A_203 : vector<256x1xi1> to vector<256x256xi1>
    %and3A_285 = arith.andi %and3A, %and3A_284 : vector<256x256xi1>
    %reduce_or3A_286 = arith.constant 1.000000e+00 : f32
    %reduce_or3A_287 = arith.constant 0.000000e+00 : f32
    %reduce_or3A_288 = vector.broadcast %reduce_or3A_286 : f32 to vector<256x256xf32>
    %reduce_or3A_289 = vector.broadcast %reduce_or3A_287 : f32 to vector<256x256xf32>
    %reduce_or3A_290 = arith.select %and3A_285, %reduce_or3A_288, %reduce_or3A_289 : vector<256x256xi1>, vector<256x256xf32>
    %reduce_or3A_291 = arith.constant dense<0xFF800000> : vector<256xf32>
    %reduce_or3A_292 = vector.multi_reduction <maximumf>, %reduce_or3A_290, %reduce_or3A_291 [0] : vector<256x256xf32> to vector<256xf32>
    %reduce_or3A_293 = arith.constant 0.000000e+00 : f32
    %reduce_or3A_294 = vector.broadcast %reduce_or3A_293 : f32 to vector<256xf32>
    %reduce_or3A_295 = arith.cmpf ogt, %reduce_or3A_292, %reduce_or3A_294 : vector<256xf32>
    %broadcast_in_dim3A_296 = vector.shape_cast %reduce_or3A_295 : vector<256xi1> to vector<1x256xi1>
    %not3A_297 = arith.constant dense<true> : vector<1x256xi1>
    %not3A_298 = arith.xori %broadcast_in_dim3A_296, %not3A_297 : vector<1x256xi1>
    %and3A_299 = arith.andi %or3A_182, %not3A_298 : vector<1x256xi1>
    %and3A_300 = vector.broadcast %or3A_210 : vector<256x1xi1> to vector<256x256xi1>
    %and3A_301 = arith.andi %and3A, %and3A_300 : vector<256x256xi1>
    %reduce_or3A_302 = arith.constant 1.000000e+00 : f32
    %reduce_or3A_303 = arith.constant 0.000000e+00 : f32
    %reduce_or3A_304 = vector.broadcast %reduce_or3A_302 : f32 to vector<256x256xf32>
    %reduce_or3A_305 = vector.broadcast %reduce_or3A_303 : f32 to vector<256x256xf32>
    %reduce_or3A_306 = arith.select %and3A_301, %reduce_or3A_304, %reduce_or3A_305 : vector<256x256xi1>, vector<256x256xf32>
    %reduce_or3A_307 = arith.constant dense<0xFF800000> : vector<256xf32>
    %reduce_or3A_308 = vector.multi_reduction <maximumf>, %reduce_or3A_306, %reduce_or3A_307 [0] : vector<256x256xf32> to vector<256xf32>
    %reduce_or3A_309 = arith.constant 0.000000e+00 : f32
    %reduce_or3A_310 = vector.broadcast %reduce_or3A_309 : f32 to vector<256xf32>
    %reduce_or3A_311 = arith.cmpf ogt, %reduce_or3A_308, %reduce_or3A_310 : vector<256xf32>
    %broadcast_in_dim3A_312 = vector.shape_cast %reduce_or3A_311 : vector<256xi1> to vector<1x256xi1>
    %not3A_313 = arith.constant dense<true> : vector<1x256xi1>
    %not3A_314 = arith.xori %broadcast_in_dim3A_312, %not3A_313 : vector<1x256xi1>
    %and3A_315 = arith.andi %or3A_189, %not3A_314 : vector<1x256xi1>
    %convert_element_type3A = arith.extui %not3A_267 : vector<1x256xi1> to vector<1x256xi32>
    %convert_element_type3A_316 = arith.sitofp %convert_element_type3A : vector<1x256xi32> to vector<1x256xf32>
    %reduce_sum3A = vector.shape_cast %convert_element_type3A_316 : vector<1x256xf32> to vector<1x1x256xf32>
    %reduce_sum3A_317 = arith.constant dense<0.000000e+00> : vector<1xf32>
    %reduce_sum3A_318 = vector.multi_reduction <add>, %reduce_sum3A, %reduce_sum3A_317 [1, 2] : vector<1x1x256xf32> to vector<1xf32>
    %reduce_sum3A_319 = vector.shape_cast %reduce_sum3A_318 : vector<1xf32> to vector<1x1x1xf32>
    %reduce_sum3A_320 = vector.extract %reduce_sum3A_319[0, 0, 0] : f32 from vector<1x1x1xf32>
    %max3A_321 = arith.constant 1.000000e+00 : f32
    %max3A_322 = arith.maximumf %reduce_sum3A_320, %max3A_321 : f32
    %convert_element_type3A_323 = arith.extui %and3A_283 : vector<1x256xi1> to vector<1x256xi32>
    %convert_element_type3A_324 = arith.sitofp %convert_element_type3A_323 : vector<1x256xi32> to vector<1x256xf32>
    %reduce_sum3A_325 = vector.shape_cast %convert_element_type3A_324 : vector<1x256xf32> to vector<1x1x256xf32>
    %reduce_sum3A_326 = arith.constant dense<0.000000e+00> : vector<1xf32>
    %reduce_sum3A_327 = vector.multi_reduction <add>, %reduce_sum3A_325, %reduce_sum3A_326 [1, 2] : vector<1x1x256xf32> to vector<1xf32>
    %reduce_sum3A_328 = vector.shape_cast %reduce_sum3A_327 : vector<1xf32> to vector<1x1x1xf32>
    %reduce_sum3A_329 = vector.extract %reduce_sum3A_328[0, 0, 0] : f32 from vector<1x1x1xf32>
    %add3A_330 = arith.constant 0.000000e+00 : f32
    %add3A_331 = arith.addf %add3A_330, %reduce_sum3A_329 : f32
    %convert_element_type3A_332 = arith.extui %and3A_299 : vector<1x256xi1> to vector<1x256xi32>
    %convert_element_type3A_333 = arith.sitofp %convert_element_type3A_332 : vector<1x256xi32> to vector<1x256xf32>
    %reduce_sum3A_334 = vector.shape_cast %convert_element_type3A_333 : vector<1x256xf32> to vector<1x1x256xf32>
    %reduce_sum3A_335 = arith.constant dense<0.000000e+00> : vector<1xf32>
    %reduce_sum3A_336 = vector.multi_reduction <add>, %reduce_sum3A_334, %reduce_sum3A_335 [1, 2] : vector<1x1x256xf32> to vector<1xf32>
    %reduce_sum3A_337 = vector.shape_cast %reduce_sum3A_336 : vector<1xf32> to vector<1x1x1xf32>
    %reduce_sum3A_338 = vector.extract %reduce_sum3A_337[0, 0, 0] : f32 from vector<1x1x1xf32>
    %add3A_339 = arith.addf %add3A_331, %reduce_sum3A_338 : f32
    %convert_element_type3A_340 = arith.extui %and3A_315 : vector<1x256xi1> to vector<1x256xi32>
    %convert_element_type3A_341 = arith.sitofp %convert_element_type3A_340 : vector<1x256xi32> to vector<1x256xf32>
    %reduce_sum3A_342 = vector.shape_cast %convert_element_type3A_341 : vector<1x256xf32> to vector<1x1x256xf32>
    %reduce_sum3A_343 = arith.constant dense<0.000000e+00> : vector<1xf32>
    %reduce_sum3A_344 = vector.multi_reduction <add>, %reduce_sum3A_342, %reduce_sum3A_343 [1, 2] : vector<1x1x256xf32> to vector<1xf32>
    %reduce_sum3A_345 = vector.shape_cast %reduce_sum3A_344 : vector<1xf32> to vector<1x1x1xf32>
    %reduce_sum3A_346 = vector.extract %reduce_sum3A_345[0, 0, 0] : f32 from vector<1x1x1xf32>
    %add3A_347 = arith.addf %add3A_339, %reduce_sum3A_346 : f32
    %sub3A_348 = arith.constant 1.966080e+05 : f32
    %sub3A_349 = arith.subf %sub3A_348, %add3A_347 : f32
    %max3A_350 = arith.constant 1.000000e+00 : f32
    %max3A_351 = arith.maximumf %sub3A_349, %max3A_350 : f32
    %get3A_352 = arith.constant 0 : index
    %get3A_353 = arith.constant 0 : index
    %get3A_354 = vector.load %arg6[%get3A_352, %get3A_353] : memref<1536x128xf32, #tpu.memory_space<vmem>>, vector<1536x128xf32>
    %exp3A = math.exp %get3A_354 : vector<1536x128xf32>
    %add3A_355 = arith.constant 1.000000e+00 : f32
    %add3A_356 = vector.broadcast %add3A_355 : f32 to vector<1536x128xf32>
    %add3A_357 = arith.addf %add3A_356, %exp3A : vector<1536x128xf32>
    %log3A = math.log %add3A_357 : vector<1536x128xf32>
    %reduce_sum3A_358 = vector.shape_cast %log3A : vector<1536x128xf32> to vector<1x1536x128xf32>
    %reduce_sum3A_359 = arith.constant dense<0.000000e+00> : vector<1xf32>
    %reduce_sum3A_360 = vector.multi_reduction <add>, %reduce_sum3A_358, %reduce_sum3A_359 [1, 2] : vector<1x1536x128xf32> to vector<1xf32>
    %reduce_sum3A_361 = vector.shape_cast %reduce_sum3A_360 : vector<1xf32> to vector<1x1x1xf32>
    %reduce_sum3A_362 = vector.extract %reduce_sum3A_361[0, 0, 0] : f32 from vector<1x1x1xf32>
    %scan3A_363 = arith.constant 0 : i32
    %scan3A_364 = arith.constant 256 : i32
    %scan3A_365 = arith.addi %scan3A_363, %scan3A_364 : i32
    %scan3A_366 = arith.constant 1 : i32
    scf.for %scan3A_669 = %scan3A_363 to %scan3A_365 step %scan3A_366  : i32 {
      %dma_wait3A = arith.constant 0 : i32
      %dma_wait3A_670 = arith.constant 0 : i32
      %dma_wait3A_671 = arith.constant 0 : i32
      %dma_wait3A_672 = arith.constant 0 : i32
      %dma_wait3A_673 = tpu.memref_slice %arg8[%dma_wait3A_670, %dma_wait3A_671, %dma_wait3A_672] : memref<256x8x255xf32, #tpu.memory_space<vmem>> -> memref<1x8x255xf32, #tpu.memory_space<vmem>>
      %dma_wait3A_674 = tpu.memref_squeeze %dma_wait3A_673 : memref<1x8x255xf32, #tpu.memory_space<vmem>> -> memref<8x255xf32, #tpu.memory_space<vmem>>
      %dma_wait3A_675 = arith.constant 0 : i32
      %dma_wait3A_676 = arith.constant 0 : i32
      %dma_wait3A_677 = tpu.memref_slice %arg5[%dma_wait3A, %dma_wait3A_675, %dma_wait3A_676] : memref<16x4096x255xf32, #tpu.memory_space<hbm>> -> memref<1x8x255xf32, #tpu.memory_space<hbm>>
      %dma_wait3A_678 = tpu.memref_squeeze %dma_wait3A_677 : memref<1x8x255xf32, #tpu.memory_space<hbm>> -> memref<8x255xf32, #tpu.memory_space<hbm>>
      tpu.wait_dma2 semaphore(%arg9 : memref<!tpu.dma_semaphore, #tpu.memory_space<semaphore_mem>>) src(%dma_wait3A_678 : memref<8x255xf32, #tpu.memory_space<hbm>>) dst(%dma_wait3A_674 : memref<8x255xf32, #tpu.memory_space<vmem>>)
    }
    %convert_element_type3A_367 = arith.fptosi %add3A_247 : vector<256x1xf32> to vector<256x1xi32>
    %jit3A_368 = arith.constant 8 : i32
    %eq3A_369 = arith.constant 0 : i32
    %eq3A_370 = arith.cmpi eq, %jit3A_368, %eq3A_369 : i32
    %jit3A_371 = arith.constant 1 : i32
    %select_n3A_372 = arith.select %eq3A_370, %jit3A_371, %jit3A_368 : i32
    %rem3A = vector.broadcast %select_n3A_372 : i32 to vector<256x1xi32>
    %rem3A_373 = arith.remsi %convert_element_type3A_367, %rem3A : vector<256x1xi32>
    %ne3A = arith.constant 0 : i32
    %ne3A_374 = vector.broadcast %ne3A : i32 to vector<256x1xi32>
    %ne3A_375 = arith.cmpi ne, %rem3A_373, %ne3A_374 : vector<256x1xi32>
    %lt3A = arith.constant 0 : i32
    %lt3A_376 = vector.broadcast %lt3A : i32 to vector<256x1xi32>
    %lt3A_377 = arith.cmpi slt, %rem3A_373, %lt3A_376 : vector<256x1xi32>
    %lt3A_378 = arith.constant 0 : i32
    %lt3A_379 = arith.cmpi slt, %select_n3A_372, %lt3A_378 : i32
    %ne3A_380 = vector.broadcast %lt3A_379 : i1 to vector<256x1xi1>
    %ne3A_381 = vector.broadcast %ne3A_380 : vector<256x1xi1> to vector<256x1xi1>
    %ne3A_382 = arith.xori %lt3A_377, %ne3A_381 : vector<256x1xi1>
    %and3A_383 = arith.andi %ne3A_382, %ne3A_375 : vector<256x1xi1>
    %add3A_384 = vector.broadcast %select_n3A_372 : i32 to vector<256x1xi32>
    %add3A_385 = arith.addi %rem3A_373, %add3A_384 : vector<256x1xi32>
    %select_n3A_386 = arith.select %and3A_383, %add3A_385, %rem3A_373 : vector<256x1xi1>, vector<256x1xi32>
    %reshape3A = vector.shape_cast %select_n3A_386 : vector<256x1xi32> to vector<256x1x1xi32>
    %iota3A_387 = tpu.iota {dimensions = array<i32: 1>} : vector<256x8x5xi32>
    %eq3A_388 = vector.broadcast %reshape3A : vector<256x1x1xi32> to vector<256x8x5xi32>
    %eq3A_389 = arith.cmpi eq, %iota3A_387, %eq3A_388 : vector<256x8x5xi32>
    %get3A_390 = arith.constant 0 : index
    %get3A_391 = arith.constant 0 : index
    %get3A_392 = arith.constant 0 : index
    %get3A_393 = vector.load %arg8[%get3A_390, %get3A_391, %get3A_392] : memref<256x8x255xf32, #tpu.memory_space<vmem>>, vector<256x8x5xf32>
    %jit3A_394 = arith.constant 0.000000e+00 : f32
    %broadcast_in_dim3A_395 = vector.broadcast %jit3A_394 : f32 to vector<256x8x5xf32>
    %select_n3A_396 = arith.select %eq3A_389, %get3A_393, %broadcast_in_dim3A_395 : vector<256x8x5xi1>, vector<256x8x5xf32>
    %reduce_sum3A_397 = arith.constant dense<0.000000e+00> : vector<256x5xf32>
    %reduce_sum3A_398 = vector.multi_reduction <add>, %select_n3A_396, %reduce_sum3A_397 [1] : vector<256x8x5xf32> to vector<256x5xf32>
    %get3A_399 = arith.constant 0 : index
    %get3A_400 = arith.constant 0 : index
    %get3A_401 = arith.constant 85 : index
    %get3A_402 = vector.load %arg8[%get3A_399, %get3A_400, %get3A_401] : memref<256x8x255xf32, #tpu.memory_space<vmem>>, vector<256x8x5xf32>
    %jit3A_403 = arith.constant 0.000000e+00 : f32
    %broadcast_in_dim3A_404 = vector.broadcast %jit3A_403 : f32 to vector<256x8x5xf32>
    %select_n3A_405 = arith.select %eq3A_389, %get3A_402, %broadcast_in_dim3A_404 : vector<256x8x5xi1>, vector<256x8x5xf32>
    %reduce_sum3A_406 = arith.constant dense<0.000000e+00> : vector<256x5xf32>
    %reduce_sum3A_407 = vector.multi_reduction <add>, %select_n3A_405, %reduce_sum3A_406 [1] : vector<256x8x5xf32> to vector<256x5xf32>
    %get3A_408 = arith.constant 0 : index
    %get3A_409 = arith.constant 0 : index
    %get3A_410 = arith.constant 170 : index
    %get3A_411 = vector.load %arg8[%get3A_408, %get3A_409, %get3A_410] : memref<256x8x255xf32, #tpu.memory_space<vmem>>, vector<256x8x5xf32>
    %jit3A_412 = arith.constant 0.000000e+00 : f32
    %broadcast_in_dim3A_413 = vector.broadcast %jit3A_412 : f32 to vector<256x8x5xf32>
    %select_n3A_414 = arith.select %eq3A_389, %get3A_411, %broadcast_in_dim3A_413 : vector<256x8x5xi1>, vector<256x8x5xf32>
    %reduce_sum3A_415 = arith.constant dense<0.000000e+00> : vector<256x5xf32>
    %reduce_sum3A_416 = vector.multi_reduction <add>, %select_n3A_414, %reduce_sum3A_415 [1] : vector<256x8x5xf32> to vector<256x5xf32>
    %concatenate3A = tpu.concatenate %reduce_sum3A_398, %reduce_sum3A_407, %reduce_sum3A_416 in 1 : vector<256x5xf32>, vector<256x5xf32>, vector<256x5xf32> -> vector<256x15xf32>
    %transpose3A = tpu.transpose %concatenate3A, [1, 0] : vector<256x15xf32> -> vector<15x256xf32>
    %eq3A_417 = arith.constant 0 : i32
    %eq3A_418 = vector.broadcast %eq3A_417 : i32 to vector<1x256xi32>
    %eq3A_419 = arith.cmpi eq, %select_n3A_159, %eq3A_418 : vector<1x256xi32>
    %convert_element_type3A_420 = arith.extui %eq3A_419 : vector<1x256xi1> to vector<1x256xi32>
    %convert_element_type3A_421 = arith.sitofp %convert_element_type3A_420 : vector<1x256xi32> to vector<1x256xf32>
    %eq3A_422 = arith.constant 1 : i32
    %eq3A_423 = vector.broadcast %eq3A_422 : i32 to vector<1x256xi32>
    %eq3A_424 = arith.cmpi eq, %select_n3A_159, %eq3A_423 : vector<1x256xi32>
    %convert_element_type3A_425 = arith.extui %eq3A_424 : vector<1x256xi1> to vector<1x256xi32>
    %convert_element_type3A_426 = arith.sitofp %convert_element_type3A_425 : vector<1x256xi32> to vector<1x256xf32>
    %eq3A_427 = arith.constant 2 : i32
    %eq3A_428 = vector.broadcast %eq3A_427 : i32 to vector<1x256xi32>
    %eq3A_429 = arith.cmpi eq, %select_n3A_159, %eq3A_428 : vector<1x256xi32>
    %convert_element_type3A_430 = arith.extui %eq3A_429 : vector<1x256xi1> to vector<1x256xi32>
    %convert_element_type3A_431 = arith.sitofp %convert_element_type3A_430 : vector<1x256xi32> to vector<1x256xf32>
    %slice3A = vector.extract_strided_slice %transpose3A {offsets = [0, 0], sizes = [1, 256], strides = [1, 1]} : vector<15x256xf32> to vector<1x256xf32>
    %mul3A_432 = arith.mulf %convert_element_type3A_421, %slice3A : vector<1x256xf32>
    %add3A_433 = arith.constant 0.000000e+00 : f32
    %add3A_434 = vector.broadcast %add3A_433 : f32 to vector<1x256xf32>
    %add3A_435 = arith.addf %add3A_434, %mul3A_432 : vector<1x256xf32>
    %slice3A_436 = vector.extract_strided_slice %transpose3A {offsets = [5, 0], sizes = [1, 256], strides = [1, 1]} : vector<15x256xf32> to vector<1x256xf32>
    %mul3A_437 = arith.mulf %convert_element_type3A_426, %slice3A_436 : vector<1x256xf32>
    %add3A_438 = arith.addf %add3A_435, %mul3A_437 : vector<1x256xf32>
    %slice3A_439 = vector.extract_strided_slice %transpose3A {offsets = [10, 0], sizes = [1, 256], strides = [1, 1]} : vector<15x256xf32> to vector<1x256xf32>
    %mul3A_440 = arith.mulf %convert_element_type3A_431, %slice3A_439 : vector<1x256xf32>
    %add3A_441 = arith.addf %add3A_438, %mul3A_440 : vector<1x256xf32>
    %slice3A_442 = vector.extract_strided_slice %transpose3A {offsets = [1, 0], sizes = [1, 256], strides = [1, 1]} : vector<15x256xf32> to vector<1x256xf32>
    %mul3A_443 = arith.mulf %convert_element_type3A_421, %slice3A_442 : vector<1x256xf32>
    %add3A_444 = arith.constant 0.000000e+00 : f32
    %add3A_445 = vector.broadcast %add3A_444 : f32 to vector<1x256xf32>
    %add3A_446 = arith.addf %add3A_445, %mul3A_443 : vector<1x256xf32>
    %slice3A_447 = vector.extract_strided_slice %transpose3A {offsets = [6, 0], sizes = [1, 256], strides = [1, 1]} : vector<15x256xf32> to vector<1x256xf32>
    %mul3A_448 = arith.mulf %convert_element_type3A_426, %slice3A_447 : vector<1x256xf32>
    %add3A_449 = arith.addf %add3A_446, %mul3A_448 : vector<1x256xf32>
    %slice3A_450 = vector.extract_strided_slice %transpose3A {offsets = [11, 0], sizes = [1, 256], strides = [1, 1]} : vector<15x256xf32> to vector<1x256xf32>
    %mul3A_451 = arith.mulf %convert_element_type3A_431, %slice3A_450 : vector<1x256xf32>
    %add3A_452 = arith.addf %add3A_449, %mul3A_451 : vector<1x256xf32>
    %slice3A_453 = vector.extract_strided_slice %transpose3A {offsets = [2, 0], sizes = [1, 256], strides = [1, 1]} : vector<15x256xf32> to vector<1x256xf32>
    %mul3A_454 = arith.mulf %convert_element_type3A_421, %slice3A_453 : vector<1x256xf32>
    %add3A_455 = arith.constant 0.000000e+00 : f32
    %add3A_456 = vector.broadcast %add3A_455 : f32 to vector<1x256xf32>
    %add3A_457 = arith.addf %add3A_456, %mul3A_454 : vector<1x256xf32>
    %slice3A_458 = vector.extract_strided_slice %transpose3A {offsets = [7, 0], sizes = [1, 256], strides = [1, 1]} : vector<15x256xf32> to vector<1x256xf32>
    %mul3A_459 = arith.mulf %convert_element_type3A_426, %slice3A_458 : vector<1x256xf32>
    %add3A_460 = arith.addf %add3A_457, %mul3A_459 : vector<1x256xf32>
    %slice3A_461 = vector.extract_strided_slice %transpose3A {offsets = [12, 0], sizes = [1, 256], strides = [1, 1]} : vector<15x256xf32> to vector<1x256xf32>
    %mul3A_462 = arith.mulf %convert_element_type3A_431, %slice3A_461 : vector<1x256xf32>
    %add3A_463 = arith.addf %add3A_460, %mul3A_462 : vector<1x256xf32>
    %slice3A_464 = vector.extract_strided_slice %transpose3A {offsets = [3, 0], sizes = [1, 256], strides = [1, 1]} : vector<15x256xf32> to vector<1x256xf32>
    %mul3A_465 = arith.mulf %convert_element_type3A_421, %slice3A_464 : vector<1x256xf32>
    %add3A_466 = arith.constant 0.000000e+00 : f32
    %add3A_467 = vector.broadcast %add3A_466 : f32 to vector<1x256xf32>
    %add3A_468 = arith.addf %add3A_467, %mul3A_465 : vector<1x256xf32>
    %slice3A_469 = vector.extract_strided_slice %transpose3A {offsets = [8, 0], sizes = [1, 256], strides = [1, 1]} : vector<15x256xf32> to vector<1x256xf32>
    %mul3A_470 = arith.mulf %convert_element_type3A_426, %slice3A_469 : vector<1x256xf32>
    %add3A_471 = arith.addf %add3A_468, %mul3A_470 : vector<1x256xf32>
    %slice3A_472 = vector.extract_strided_slice %transpose3A {offsets = [13, 0], sizes = [1, 256], strides = [1, 1]} : vector<15x256xf32> to vector<1x256xf32>
    %mul3A_473 = arith.mulf %convert_element_type3A_431, %slice3A_472 : vector<1x256xf32>
    %add3A_474 = arith.addf %add3A_471, %mul3A_473 : vector<1x256xf32>
    %slice3A_475 = vector.extract_strided_slice %transpose3A {offsets = [4, 0], sizes = [1, 256], strides = [1, 1]} : vector<15x256xf32> to vector<1x256xf32>
    %mul3A_476 = arith.mulf %convert_element_type3A_421, %slice3A_475 : vector<1x256xf32>
    %add3A_477 = arith.constant 0.000000e+00 : f32
    %add3A_478 = vector.broadcast %add3A_477 : f32 to vector<1x256xf32>
    %add3A_479 = arith.addf %add3A_478, %mul3A_476 : vector<1x256xf32>
    %slice3A_480 = vector.extract_strided_slice %transpose3A {offsets = [9, 0], sizes = [1, 256], strides = [1, 1]} : vector<15x256xf32> to vector<1x256xf32>
    %mul3A_481 = arith.mulf %convert_element_type3A_426, %slice3A_480 : vector<1x256xf32>
    %add3A_482 = arith.addf %add3A_479, %mul3A_481 : vector<1x256xf32>
    %slice3A_483 = vector.extract_strided_slice %transpose3A {offsets = [14, 0], sizes = [1, 256], strides = [1, 1]} : vector<15x256xf32> to vector<1x256xf32>
    %mul3A_484 = arith.mulf %convert_element_type3A_431, %slice3A_483 : vector<1x256xf32>
    %add3A_485 = arith.addf %add3A_482, %mul3A_484 : vector<1x256xf32>
    %slice3A_486 = vector.extract_strided_slice %transpose3A {offsets = [4, 0], sizes = [1, 256], strides = [1, 1]} : vector<15x256xf32> to vector<1x256xf32>
    %slice3A_487 = vector.extract_strided_slice %transpose3A {offsets = [9, 0], sizes = [1, 256], strides = [1, 1]} : vector<15x256xf32> to vector<1x256xf32>
    %slice3A_488 = vector.extract_strided_slice %transpose3A {offsets = [14, 0], sizes = [1, 256], strides = [1, 1]} : vector<15x256xf32> to vector<1x256xf32>
    %get3A_489 = arith.constant 0 : index
    %get3A_490 = arith.constant 0 : index
    %get3A_491 = memref.load %arg2[%get3A_489, %get3A_490] : memref<2x3xf32, #tpu.memory_space<smem>>
    %mul3A_492 = vector.broadcast %get3A_491 : f32 to vector<1x256xf32>
    %mul3A_493 = arith.mulf %convert_element_type3A_421, %mul3A_492 : vector<1x256xf32>
    %add3A_494 = arith.constant 0.000000e+00 : f32
    %add3A_495 = vector.broadcast %add3A_494 : f32 to vector<1x256xf32>
    %add3A_496 = arith.addf %add3A_495, %mul3A_493 : vector<1x256xf32>
    %get3A_497 = arith.constant 0 : index
    %get3A_498 = arith.constant 1 : index
    %get3A_499 = memref.load %arg2[%get3A_497, %get3A_498] : memref<2x3xf32, #tpu.memory_space<smem>>
    %mul3A_500 = vector.broadcast %get3A_499 : f32 to vector<1x256xf32>
    %mul3A_501 = arith.mulf %convert_element_type3A_426, %mul3A_500 : vector<1x256xf32>
    %add3A_502 = arith.addf %add3A_496, %mul3A_501 : vector<1x256xf32>
    %get3A_503 = arith.constant 0 : index
    %get3A_504 = arith.constant 2 : index
    %get3A_505 = memref.load %arg2[%get3A_503, %get3A_504] : memref<2x3xf32, #tpu.memory_space<smem>>
    %mul3A_506 = vector.broadcast %get3A_505 : f32 to vector<1x256xf32>
    %mul3A_507 = arith.mulf %convert_element_type3A_431, %mul3A_506 : vector<1x256xf32>
    %add3A_508 = arith.addf %add3A_502, %mul3A_507 : vector<1x256xf32>
    %get3A_509 = arith.constant 1 : index
    %get3A_510 = arith.constant 0 : index
    %get3A_511 = memref.load %arg2[%get3A_509, %get3A_510] : memref<2x3xf32, #tpu.memory_space<smem>>
    %mul3A_512 = vector.broadcast %get3A_511 : f32 to vector<1x256xf32>
    %mul3A_513 = arith.mulf %convert_element_type3A_421, %mul3A_512 : vector<1x256xf32>
    %add3A_514 = arith.constant 0.000000e+00 : f32
    %add3A_515 = vector.broadcast %add3A_514 : f32 to vector<1x256xf32>
    %add3A_516 = arith.addf %add3A_515, %mul3A_513 : vector<1x256xf32>
    %get3A_517 = arith.constant 1 : index
    %get3A_518 = arith.constant 1 : index
    %get3A_519 = memref.load %arg2[%get3A_517, %get3A_518] : memref<2x3xf32, #tpu.memory_space<smem>>
    %mul3A_520 = vector.broadcast %get3A_519 : f32 to vector<1x256xf32>
    %mul3A_521 = arith.mulf %convert_element_type3A_426, %mul3A_520 : vector<1x256xf32>
    %add3A_522 = arith.addf %add3A_516, %mul3A_521 : vector<1x256xf32>
    %get3A_523 = arith.constant 1 : index
    %get3A_524 = arith.constant 2 : index
    %get3A_525 = memref.load %arg2[%get3A_523, %get3A_524] : memref<2x3xf32, #tpu.memory_space<smem>>
    %mul3A_526 = vector.broadcast %get3A_525 : f32 to vector<1x256xf32>
    %mul3A_527 = arith.mulf %convert_element_type3A_431, %mul3A_526 : vector<1x256xf32>
    %add3A_528 = arith.addf %add3A_522, %mul3A_527 : vector<1x256xf32>
    %floor3A_529 = math.floor %mul3A_7 : vector<1x256xf32>
    %sub3A_530 = arith.subf %mul3A_7, %floor3A_529 : vector<1x256xf32>
    %floor3A_531 = math.floor %mul3A_13 : vector<1x256xf32>
    %sub3A_532 = arith.subf %mul3A_13, %floor3A_531 : vector<1x256xf32>
    %div3A_533 = arith.divf %mul3A_19, %add3A_508 : vector<1x256xf32>
    %div3A_534 = arith.divf %mul3A_25, %add3A_528 : vector<1x256xf32>
    %logistic3A = arith.negf %add3A_441 : vector<1x256xf32>
    %logistic3A_535 = math.exp %logistic3A : vector<1x256xf32>
    %logistic3A_536 = arith.constant 1.000000e+00 : f32
    %logistic3A_537 = vector.broadcast %logistic3A_536 : f32 to vector<1x256xf32>
    %logistic3A_538 = arith.addf %logistic3A_537, %logistic3A_535 : vector<1x256xf32>
    %logistic3A_539 = arith.divf %logistic3A_537, %logistic3A_538 : vector<1x256xf32>
    %logistic3A_540 = arith.negf %add3A_452 : vector<1x256xf32>
    %logistic3A_541 = math.exp %logistic3A_540 : vector<1x256xf32>
    %logistic3A_542 = arith.constant 1.000000e+00 : f32
    %logistic3A_543 = vector.broadcast %logistic3A_542 : f32 to vector<1x256xf32>
    %logistic3A_544 = arith.addf %logistic3A_543, %logistic3A_541 : vector<1x256xf32>
    %logistic3A_545 = arith.divf %logistic3A_543, %logistic3A_544 : vector<1x256xf32>
    %sub3A_546 = arith.subf %logistic3A_539, %sub3A_530 : vector<1x256xf32>
    %integer_pow3A = arith.mulf %sub3A_546, %sub3A_546 : vector<1x256xf32>
    %sub3A_547 = arith.subf %logistic3A_545, %sub3A_532 : vector<1x256xf32>
    %integer_pow3A_548 = arith.mulf %sub3A_547, %sub3A_547 : vector<1x256xf32>
    %add3A_549 = arith.addf %integer_pow3A, %integer_pow3A_548 : vector<1x256xf32>
    %log3A_550 = math.log %div3A_533 : vector<1x256xf32>
    %sub3A_551 = arith.subf %add3A_463, %log3A_550 : vector<1x256xf32>
    %integer_pow3A_552 = arith.mulf %sub3A_551, %sub3A_551 : vector<1x256xf32>
    %add3A_553 = arith.addf %add3A_549, %integer_pow3A_552 : vector<1x256xf32>
    %log3A_554 = math.log %div3A_534 : vector<1x256xf32>
    %sub3A_555 = arith.subf %add3A_474, %log3A_554 : vector<1x256xf32>
    %integer_pow3A_556 = arith.mulf %sub3A_555, %sub3A_555 : vector<1x256xf32>
    %add3A_557 = arith.addf %add3A_553, %integer_pow3A_556 : vector<1x256xf32>
    %logistic3A_558 = arith.negf %add3A_485 : vector<1x256xf32>
    %logistic3A_559 = math.exp %logistic3A_558 : vector<1x256xf32>
    %logistic3A_560 = arith.constant 1.000000e+00 : f32
    %logistic3A_561 = vector.broadcast %logistic3A_560 : f32 to vector<1x256xf32>
    %logistic3A_562 = arith.addf %logistic3A_561, %logistic3A_559 : vector<1x256xf32>
    %logistic3A_563 = arith.divf %logistic3A_561, %logistic3A_562 : vector<1x256xf32>
    %add3A_564 = arith.constant 9.99999996E-13 : f32
    %add3A_565 = vector.broadcast %add3A_564 : f32 to vector<1x256xf32>
    %add3A_566 = arith.addf %logistic3A_563, %add3A_565 : vector<1x256xf32>
    %log3A_567 = math.log %add3A_566 : vector<1x256xf32>
    %neg3A = arith.constant 0.000000e+00 : f32
    %neg3A_568 = vector.broadcast %neg3A : f32 to vector<1x256xf32>
    %neg3A_569 = arith.subf %neg3A_568, %log3A_567 : vector<1x256xf32>
    %mul3A_570 = arith.mulf %add3A_557, %convert_element_type3A_316 : vector<1x256xf32>
    %reduce_sum3A_571 = vector.shape_cast %mul3A_570 : vector<1x256xf32> to vector<1x1x256xf32>
    %reduce_sum3A_572 = arith.constant dense<0.000000e+00> : vector<1xf32>
    %reduce_sum3A_573 = vector.multi_reduction <add>, %reduce_sum3A_571, %reduce_sum3A_572 [1, 2] : vector<1x1x256xf32> to vector<1xf32>
    %reduce_sum3A_574 = vector.shape_cast %reduce_sum3A_573 : vector<1xf32> to vector<1x1x1xf32>
    %reduce_sum3A_575 = vector.extract %reduce_sum3A_574[0, 0, 0] : f32 from vector<1x1x1xf32>
    %mul3A_576 = arith.mulf %neg3A_569, %convert_element_type3A_316 : vector<1x256xf32>
    %reduce_sum3A_577 = vector.shape_cast %mul3A_576 : vector<1x256xf32> to vector<1x1x256xf32>
    %reduce_sum3A_578 = arith.constant dense<0.000000e+00> : vector<1xf32>
    %reduce_sum3A_579 = vector.multi_reduction <add>, %reduce_sum3A_577, %reduce_sum3A_578 [1, 2] : vector<1x1x256xf32> to vector<1xf32>
    %reduce_sum3A_580 = vector.shape_cast %reduce_sum3A_579 : vector<1xf32> to vector<1x1x1xf32>
    %reduce_sum3A_581 = vector.extract %reduce_sum3A_580[0, 0, 0] : f32 from vector<1x1x1xf32>
    %logistic3A_582 = arith.negf %slice3A_486 : vector<1x256xf32>
    %logistic3A_583 = math.exp %logistic3A_582 : vector<1x256xf32>
    %logistic3A_584 = arith.constant 1.000000e+00 : f32
    %logistic3A_585 = vector.broadcast %logistic3A_584 : f32 to vector<1x256xf32>
    %logistic3A_586 = arith.addf %logistic3A_585, %logistic3A_583 : vector<1x256xf32>
    %logistic3A_587 = arith.divf %logistic3A_585, %logistic3A_586 : vector<1x256xf32>
    %sub3A_588 = arith.constant 1.000000e+00 : f32
    %sub3A_589 = vector.broadcast %sub3A_588 : f32 to vector<1x256xf32>
    %sub3A_590 = arith.subf %sub3A_589, %logistic3A_587 : vector<1x256xf32>
    %add3A_591 = arith.constant 9.99999996E-13 : f32
    %add3A_592 = vector.broadcast %add3A_591 : f32 to vector<1x256xf32>
    %add3A_593 = arith.addf %sub3A_590, %add3A_592 : vector<1x256xf32>
    %log3A_594 = math.log %add3A_593 : vector<1x256xf32>
    %neg3A_595 = arith.constant 0.000000e+00 : f32
    %neg3A_596 = vector.broadcast %neg3A_595 : f32 to vector<1x256xf32>
    %neg3A_597 = arith.subf %neg3A_596, %log3A_594 : vector<1x256xf32>
    %jit3A_598 = arith.constant 0.000000e+00 : f32
    %broadcast_in_dim3A_599 = vector.broadcast %jit3A_598 : f32 to vector<1x256xf32>
    %select_n3A_600 = arith.select %and3A_283, %neg3A_597, %broadcast_in_dim3A_599 : vector<1x256xi1>, vector<1x256xf32>
    %reduce_sum3A_601 = vector.shape_cast %select_n3A_600 : vector<1x256xf32> to vector<1x1x256xf32>
    %reduce_sum3A_602 = arith.constant dense<0.000000e+00> : vector<1xf32>
    %reduce_sum3A_603 = vector.multi_reduction <add>, %reduce_sum3A_601, %reduce_sum3A_602 [1, 2] : vector<1x1x256xf32> to vector<1xf32>
    %reduce_sum3A_604 = vector.shape_cast %reduce_sum3A_603 : vector<1xf32> to vector<1x1x1xf32>
    %reduce_sum3A_605 = vector.extract %reduce_sum3A_604[0, 0, 0] : f32 from vector<1x1x1xf32>
    %add3A_606 = arith.constant 0.000000e+00 : f32
    %add3A_607 = arith.addf %add3A_606, %reduce_sum3A_605 : f32
    %logistic3A_608 = arith.negf %slice3A_487 : vector<1x256xf32>
    %logistic3A_609 = math.exp %logistic3A_608 : vector<1x256xf32>
    %logistic3A_610 = arith.constant 1.000000e+00 : f32
    %logistic3A_611 = vector.broadcast %logistic3A_610 : f32 to vector<1x256xf32>
    %logistic3A_612 = arith.addf %logistic3A_611, %logistic3A_609 : vector<1x256xf32>
    %logistic3A_613 = arith.divf %logistic3A_611, %logistic3A_612 : vector<1x256xf32>
    %sub3A_614 = arith.constant 1.000000e+00 : f32
    %sub3A_615 = vector.broadcast %sub3A_614 : f32 to vector<1x256xf32>
    %sub3A_616 = arith.subf %sub3A_615, %logistic3A_613 : vector<1x256xf32>
    %add3A_617 = arith.constant 9.99999996E-13 : f32
    %add3A_618 = vector.broadcast %add3A_617 : f32 to vector<1x256xf32>
    %add3A_619 = arith.addf %sub3A_616, %add3A_618 : vector<1x256xf32>
    %log3A_620 = math.log %add3A_619 : vector<1x256xf32>
    %neg3A_621 = arith.constant 0.000000e+00 : f32
    %neg3A_622 = vector.broadcast %neg3A_621 : f32 to vector<1x256xf32>
    %neg3A_623 = arith.subf %neg3A_622, %log3A_620 : vector<1x256xf32>
    %jit3A_624 = arith.constant 0.000000e+00 : f32
    %broadcast_in_dim3A_625 = vector.broadcast %jit3A_624 : f32 to vector<1x256xf32>
    %select_n3A_626 = arith.select %and3A_299, %neg3A_623, %broadcast_in_dim3A_625 : vector<1x256xi1>, vector<1x256xf32>
    %reduce_sum3A_627 = vector.shape_cast %select_n3A_626 : vector<1x256xf32> to vector<1x1x256xf32>
    %reduce_sum3A_628 = arith.constant dense<0.000000e+00> : vector<1xf32>
    %reduce_sum3A_629 = vector.multi_reduction <add>, %reduce_sum3A_627, %reduce_sum3A_628 [1, 2] : vector<1x1x256xf32> to vector<1xf32>
    %reduce_sum3A_630 = vector.shape_cast %reduce_sum3A_629 : vector<1xf32> to vector<1x1x1xf32>
    %reduce_sum3A_631 = vector.extract %reduce_sum3A_630[0, 0, 0] : f32 from vector<1x1x1xf32>
    %add3A_632 = arith.addf %add3A_607, %reduce_sum3A_631 : f32
    %logistic3A_633 = arith.negf %slice3A_488 : vector<1x256xf32>
    %logistic3A_634 = math.exp %logistic3A_633 : vector<1x256xf32>
    %logistic3A_635 = arith.constant 1.000000e+00 : f32
    %logistic3A_636 = vector.broadcast %logistic3A_635 : f32 to vector<1x256xf32>
    %logistic3A_637 = arith.addf %logistic3A_636, %logistic3A_634 : vector<1x256xf32>
    %logistic3A_638 = arith.divf %logistic3A_636, %logistic3A_637 : vector<1x256xf32>
    %sub3A_639 = arith.constant 1.000000e+00 : f32
    %sub3A_640 = vector.broadcast %sub3A_639 : f32 to vector<1x256xf32>
    %sub3A_641 = arith.subf %sub3A_640, %logistic3A_638 : vector<1x256xf32>
    %add3A_642 = arith.constant 9.99999996E-13 : f32
    %add3A_643 = vector.broadcast %add3A_642 : f32 to vector<1x256xf32>
    %add3A_644 = arith.addf %sub3A_641, %add3A_643 : vector<1x256xf32>
    %log3A_645 = math.log %add3A_644 : vector<1x256xf32>
    %neg3A_646 = arith.constant 0.000000e+00 : f32
    %neg3A_647 = vector.broadcast %neg3A_646 : f32 to vector<1x256xf32>
    %neg3A_648 = arith.subf %neg3A_647, %log3A_645 : vector<1x256xf32>
    %jit3A_649 = arith.constant 0.000000e+00 : f32
    %broadcast_in_dim3A_650 = vector.broadcast %jit3A_649 : f32 to vector<1x256xf32>
    %select_n3A_651 = arith.select %and3A_315, %neg3A_648, %broadcast_in_dim3A_650 : vector<1x256xi1>, vector<1x256xf32>
    %reduce_sum3A_652 = vector.shape_cast %select_n3A_651 : vector<1x256xf32> to vector<1x1x256xf32>
    %reduce_sum3A_653 = arith.constant dense<0.000000e+00> : vector<1xf32>
    %reduce_sum3A_654 = vector.multi_reduction <add>, %reduce_sum3A_652, %reduce_sum3A_653 [1, 2] : vector<1x1x256xf32> to vector<1xf32>
    %reduce_sum3A_655 = vector.shape_cast %reduce_sum3A_654 : vector<1xf32> to vector<1x1x1xf32>
    %reduce_sum3A_656 = vector.extract %reduce_sum3A_655[0, 0, 0] : f32 from vector<1x1x1xf32>
    %add3A_657 = arith.addf %add3A_632, %reduce_sum3A_656 : f32
    %mul3A_658 = arith.constant 1.000000e+00 : f32
    %mul3A_659 = arith.mulf %mul3A_658, %reduce_sum3A_581 : f32
    %add3A_660 = arith.addf %reduce_sum3A_575, %mul3A_659 : f32
    %div3A_661 = arith.divf %add3A_660, %max3A_322 : f32
    %sub3A_662 = arith.subf %reduce_sum3A_362, %add3A_657 : f32
    %mul3A_663 = arith.constant 1.000000e+02 : f32
    %mul3A_664 = arith.mulf %mul3A_663, %sub3A_662 : f32
    %div3A_665 = arith.divf %mul3A_664, %max3A_351 : f32
    %add3A_666 = arith.addf %div3A_661, %div3A_665 : f32
    %swap3A = arith.constant 0 : index
    %swap3A_667 = arith.constant 0 : index
    %swap3A_668 = memref.load %arg7[%swap3A, %swap3A_667] : memref<1x1xf32, #tpu.memory_space<smem>>
    memref.store %add3A_666, %arg7[%swap3A, %swap3A_667] : memref<1x1xf32, #tpu.memory_space<smem>>
    return
  }
}

</mosaic_0001>

<sc_bundles>
// kernel: kernel.4.cloned.1.call-start
scs
__scs_entry_jumppad:
0x0: {  	(pc) =	sbr.rel $0x88, $3  }
0x1: {  	(tag) =	ssettag $0x0;
	lr =	simm.s32 $0x1  }
0x2: {  	[smem:$0x3F9E] =	sst lr;
	_ =	strace $0xD0000000  }
0x3: {  	_ = 	snop  }
0x4: {  	_ = 	snop  }
0x5: {  	_ = 	snop  }
0x6: {  	_ = 	snop  }
0x7: {  	_ = 	snop  }
__scs_overlays_trampoline_lowered:
0x8: {  	[smem:$0x3FAD] =	sst s0  }
0x9: {  	[smem:$0x3FAE] =	sst s1  }
0xa: {  	[smem:$0x3FAF] =	sst s2  }
0xb: {  	[smem:$0x3FB0] =	sst s3  }
0xc: {  	[smem:$0x3FB1] =	sst s4  }
0xd: {  	[smem:$0x3FB2] =	sst s5  }
0xe: {  	[smem:$0x3FB3] =	sst s6  }
0xf: {  	[smem:$0x3FB4] =	sst s7  }
0x10: {  	[smem:$0x3FB5] =	sst s8  }
0x11: {  	[smem:$0x3FB6] =	sst s9;
	s0 =	simm.s32 @!p0 $0x0  }
0x12: {  	s1 =	sld [smem:$0x3F9C];
	s0 =	simm.s32 @p0 $0x1  }
0x13: {  	[smem:$0x3FB7] =	sst s0;
	s0 =	simm.s32 @!p1 $0x0  }
0x14: {  	s2 =	sld [smem:$0x3F9B];
	s0 =	simm.s32 @p1 $0x1  }
0x15: {  	[smem:$0x3FB8] =	sst s0;
	s0 =	simm.s32 @!p2 $0x0  }
0x16: {  	s3 =	sld [smem:$0x3FDB];
	s0 =	simm.s32 @p2 $0x1  }
0x17: {  	s4 =	simm.s32 $0x1BF5;
	[smem:$0x3FBA] =	sst s0  }
0x18: {  	s0 =	sld [smem:$0x3F9D];
	_ =	swait.ge [sflag:s4], $0x0  }
0x19: {  	s7 =	sld [smem:$0x3F9E]  }
0x1a: {  	s8 =	sadd.s32 $0xFFFFE003, lr  }
0x1b: {  	s9 =	sadd.s32 $0xFFFFFEF7, lr;
	s5 =	simm.s32 $0xFFFFFFFF;
	p2 =	slt.u32 s8, $0xFFFFF086  }
0x1c: {  	p1 =	slt.u32 s9, $0xF7A;
	s5 =	simm.s32 @!p2 $0x0  }
0x1d: {  	s5 =	simm.s32 @p1 $0x1;
	p0 =	seq.s32 s7, s2  }
0x1e: {  	s7 =	smul.u32 @!p0 $0xF7A, s2;
	p2 =	seq.s32 @!p0 s5, $0x0  }
0x1f: {  	s9 =	smul.u32 $0xF7A, s1;
	s8 =	simm.s32 @!p0 $0x1BF5;
	p2 =	por !p2, p0  }
0x20: {  	[sflag:s8] =	ssyncset.s32 @!p0 $0xFFFFF086;
	s6 =	sadd.s32 @!p0 s3, s7;
	s7 =	simm.s32 @!p0 $0x108  }
0x21: {  	s3 =	sadd.s32 s3, s9;
	s6 =	sadd.s32 @!p0 $0x88, s6;
	s7 =	simm.s32 @p2 $0x1082  }
0x22: {  	[simem:s7], [sflag:s8] =	dma.local @!p0 [hbm:s6], $0xF7A  }
0x23: {  	s9 =	sor.u32 $0xD0000000, s2;
	s6 =	simm.s32 $0x108;
	_ =	swait.ge @!p0 [sflag:s8], $0x0  }
0x24: {  	s3 =	sadd.s32 $0x88, s3;
	s6 =	simm.s32 @!p1 $0x1082;
	[sflag:s4] =	ssyncset.s32 $0xFFFFF086  }
0x25: {  	[simem:s6], [sflag:s4] =	dma.local [hbm:s3], $0xF7A  }
0x26: {  	[smem:$0x3F9E] =	sst s1;
	(tag) =	ssettag s2;
	_ =	strace s9  }
0x27: {  	s1 =	sld [smem:$0x3FAE]  }
0x28: {  	s2 =	sld [smem:$0x3FAF]  }
0x29: {  	s4 =	sld [smem:$0x3FB1]  }
0x2a: {  	p0 =	seq.s32 s5, $0x0;
	s5 =	sld [smem:$0x3FB2]  }
0x2b: {  	s6 =	sld [smem:$0x3FB3]  }
0x2c: {  	s7 =	sld [smem:$0x3FB4]  }
0x2d: {  	s3 =	simm.s32 $0x108;
	s8 =	sld [smem:$0x3FB5]  }
0x2e: {  	s3 =	simm.s32 @!p0 $0x1082;
	s9 =	sld [smem:$0x3FB6]  }
0x2f: {  	lr =	sadd.s32 s0, s3;
	s0 =	sld [smem:$0x3FAD]  }
0x30: {  	s3 =	sld [smem:$0x3FB0]  }
0x31: {  	[smem:$0x3FB9] =	sst s10  }
0x32: {  	s10 =	sld [smem:$0x3FB7];
	_ =	sdelay $0x3  }
0x33: {  	p0 =	seq.s32 s10, $0x1;
	s10 =	sld [smem:$0x3FB9];
	_ =	sdelay $0x3  }
0x34: {  	[smem:$0x3FB9] =	sst s10  }
0x35: {  	s10 =	sld [smem:$0x3FB8];
	_ =	sdelay $0x3  }
0x36: {  	p1 =	seq.s32 s10, $0x1;
	s10 =	sld [smem:$0x3FB9];
	_ =	sdelay $0x3  }
0x37: {  	[smem:$0x3FB9] =	sst s10  }
0x38: {  	s10 =	sld [smem:$0x3FBA]  }
0x39: {  	_ = 	snop;
	(pc) =	sbr.ind lr, $3  }
0x3a: {  	_ = 	snop  }
0x3b: {  	_ = 	snop  }
0x3c: {  	p2 =	seq.s32 s10, $0x1;
	s10 =	sld [smem:$0x3FB9]  }
0x3d: {  	_ =	shalt  }
0x3e: {  	_ =	shalt  }
0x3f: {  	_ =	shalt  }
0x40: {  	_ =	shalt  }
0x41: {  	_ =	shalt  }
0x42: {  	_ =	shalt  }
0x43: {  	_ =	shalt  }
0x44: {  	_ =	shalt  }
0x45: {  	_ =	shalt  }
0x46: {  	_ =	shalt  }
0x47: {  	_ =	shalt  }
0x48: {  	_ =	shalt  }
0x49: {  	_ =	shalt  }
0x4a: {  	_ =	shalt  }
0x4b: {  	_ =	shalt  }
0x4c: {  	_ =	shalt  }
0x4d: {  	_ =	shalt  }
0x4e: {  	_ =	shalt  }
0x4f: {  	_ =	shalt  }
0x50: {  	_ =	shalt  }
0x51: {  	_ =	shalt  }
0x52: {  	_ =	shalt  }
0x53: {  	_ =	shalt  }
0x54: {  	_ =	shalt  }
0x55: {  	_ =	shalt  }
0x56: {  	_ =	shalt  }
0x57: {  	_ =	shalt  }
0x58: {  	_ =	shalt  }
0x59: {  	_ =	shalt  }
0x5a: {  	_ =	shalt  }
0x5b: {  	_ =	shalt  }
0x5c: {  	_ =	shalt  }
0x5d: {  	_ =	shalt  }
0x5e: {  	_ =	shalt  }
0x5f: {  	_ =	shalt  }
0x60: {  	_ =	shalt  }
0x61: {  	_ =	shalt  }
0x62: {  	_ =	shalt  }
0x63: {  	_ =	shalt  }
0x64: {  	_ =	shalt  }
0x65: {  	_ =	shalt  }
0x66: {  	_ =	shalt  }
0x67: {  	_ =	shalt  }
0x68: {  	_ =	shalt  }
0x69: {  	_ =	shalt  }
0x6a: {  	_ =	shalt  }
0x6b: {  	_ =	shalt  }
0x6c: {  	_ =	shalt  }
0x6d: {  	_ =	shalt  }
0x6e: {  	_ =	shalt  }
0x6f: {  	_ =	shalt  }
0x70: {  	_ =	shalt  }
0x71: {  	_ =	shalt  }
0x72: {  	_ =	shalt  }
0x73: {  	_ =	shalt  }
0x74: {  	_ =	shalt  }
0x75: {  	_ =	shalt  }
0x76: {  	_ =	shalt  }
0x77: {  	_ =	shalt  }
0x78: {  	_ =	shalt  }
0x79: {  	_ =	shalt  }
0x7a: {  	_ =	shalt  }
0x7b: {  	_ =	shalt  }
0x7c: {  	_ =	shalt  }
0x7d: {  	_ =	shalt  }
0x7e: {  	_ =	shalt  }
0x7f: {  	_ =	shalt  }
0x80: {  	_ =	shalt  }
0x81: {  	_ =	shalt  }
0x82: {  	_ =	shalt  }
0x83: {  	_ =	shalt  }
0x84: {  	_ =	shalt  }
0x85: {  	_ =	shalt  }
0x86: {  	_ =	shalt  }
0x87: {  	_ =	shalt  }
.Lfunc_end0:
.L_simem_size_0:
called_computation.1_lowered:
.L_overlay_start_0:
0x88: {  	s2 =	sld [smem:$0x3FD9]  }
0x89: {  	s3 =	sld [smem:$0x3FFE];
	_ =	sdelay $0x1  }
0x8a: {  	s1 =	srdreg.scid  }
0x8b: {  	s0 =	sand.u32 $0x1, s1  }
0x8c: {  	s16 =	sshll.u32 s0, $0xA;
	s2 =	sadd.s32 s3, s2  }
0x8d: {  	s2 =	sadd.s32 s2, s16  }
0x8e: {  	[smem:$0x3FC5] =	sst s2  }
0x8f: {  	_ = 	snop  }
0x90: {  	(tm) =	ssettm $0x1  }
0x91: {  	s17 =	sld [smem:$0x3FFB];
	_ =	sdelay $0x3  }
0x92: {  	_ =	strace s17  }
0x93: {  	s2 =	sld [smem:$0x3FFC];
	_ =	sdelay $0x3  }
0x94: {  	_ =	strace s2  }
0x95: {  	s2 =	sld [smem:$0x3FFD];
	_ =	sdelay $0x3  }
0x96: {  	_ =	strace s2  }
0x97: {  	_ =	strace $0x8FFFFFFF  }
0x98: {  	s18 =	sld [smem:$0x3FDB];
	_ =	sdelay $0x1  }
0x99: {  	s19 =	simm.s32 $_scs_section_size  }
0x9a: {  	s4 =	simm.s32 $_size__tile_overlayer_lowered;
	s5 =	simm.s32 $_tile_overlayer_lowered  }
0x9b: {  	s22 =	simm.s32 $0x1BFF;
	s21 =	sshll.u32 s5, $0x1;
	s2 =	sadd.s32 s19, s18  }
0x9c: {  	s6 =	simm.s32 $0x0;
	s20 =	sshll.u32 s4, $0x1;
	s4 =	sadd.s32 s21, s2  }
0x9d: {  	[timem:s6], [sflag:s22] =	dma.local [hbm:s4], s20  }
0x9e: {  	_ =	swait.ge [sflag:s22], s20  }
0x9f: {  	s3 =	ssub.s32 $0x0, s20;
	[sflag:s22] =	ssyncset.done $0x0  }
0xa0: {  	[sflag:s22] =	ssyncadd.s32 s3;
	_ =	sdelay $0x1  }
0xa1: {  	s23 =	simm.s32 $0x1B8B  }
0xa2: {  	_ =	swait.ge [sflag:s23], $0x1  }
0xa3: {  	[sflag:s23] =	ssyncset.done $0x0  }
0xa4: {  	s25 =	simm.s32 $0x1B8E;
	s24 =	sld [smem:$0x3FFE];
	[sflag:s23] =	ssyncadd.s32 $0xFFFFFFFF  }
0xa5: {  	s26 =	simm.s32 $execute0_lowered;
	[smem:$0x3FD2] =	sst s25  }
0xa6: {  	s4 =	sshll.u32 s26, $0x1;
	_ =	strace $0x80000049;
	[dreg:$0x1] =	wrdreg $0xFFFFFFFF  }
0xa7: {  	s28 =	simm.s32 $_size_execute0_lowered;
	s2 =	sadd.s32 s2, s4;
	[dreg:$0x0] =	wrdreg $0x0  }
0xa8: {  	s4 =	sshll.u32 s28, $0x1;
	[dreg:$0x2] =	wrdreg s2  }
0xa9: {  	[dreg:$0x3] =	wrdreg s4  }
0xaa: {  	[dreg:$0x4] =	wrdreg $0xC0  }
0xab: {  	_ =	task [dreg:s6], $0x5FFFF  }
0xac: {  	[dreg:$0x1] =	wrdreg $0xFFFFFFFF  }
0xad: {  	[dreg:$0x0] =	wrdreg $0x60  }
0xae: {  	[dreg:$0x2] =	wrdreg s24  }
0xaf: {  	[dreg:$0x3] =	wrdreg $0x9  }
0xb0: {  	_ =	task.clear_ibuf [dreg:s6], $0x4FFFF;
	_ =	strace $0x90000049  }
0xb1: {  	s29 =	simm.s32 $0x9;
	_ =	strace $0x8000004B  }
0xb2: {  	_ =	swait.ge [sflag:s29], $0x1  }
0xb3: {  	[sflag:s29] =	ssyncadd.s32 $0xFFFFFFFF  }
0xb4: {  	_ =	strace $0x9000004B  }
0xb5: {  	_ =	sfence  }
0xb6: {  	s30 =	sld [smem:$0x0];
	_ =	sdelay $0x2  }
0xb7: {  	s31 =	sshll.u32 s1, $0xD;
	s1 =	sshrl.u32 s1, $0x2  }
0xb8: {  	s3 =	sand.u32 $0x4000, s31;
	s1 =	sadd.s32 s1, s30  }
0xb9: {  	s0 =	sor.u32 s3, s0;
	s1 =	sshll.u32 s1, $0x11  }
0xba: {  	s0 =	sor.u32 s1, s0  }
0xbb: {  	s0 =	sadd.s32 $0x8F2B, s0  }
0xbc: {  	[sflag:s0] =	ssyncadd.remote.s32 $0x1  }
0xbd: {  	_ =	sfence.sel $0xFFFF  }
0xbe: {  	[dreg:$0x0] =	wrdreg $0xFFFFFFFF;
	(pc) =	sbr.abs _section_cstart, $3  }
0xbf: {  	[dreg:$0x1] =	wrdreg $0xFFFFFFFF  }
0xc0: {  	_ =	task.clear_ibuf [dreg:s6], $0x2FFFF;
	_ =	strace $0x9FFFFFFF  }
0xc1: {  	(tm) =	ssettm $0x7FFFFFFF  }
tec
execute0_lowered:
.L_overlay_start_1:
0x0: {  	(tag) =	ssettag $0x1  }
0x1: {  	s3 =	rddreg [dreg:$0x0]  }
0x2: {  	s0 =	rddreg [dreg:$0x1]  }
0x3: {  	s4 =	srdreg.scid;
	s2 =	simm.s32 $0x0;
	s1 =	stileid.u32  }
0x4: {  	s10 =	simm.s32 $0x8;
	s11 =	simm.s32 $0x100;
	s12 =	simm.s32 $0x4000  }
0x5: {  	s13 =	simm.s32 $0x8000;
	s14 =	simm.s32 $0x1;
	s15 =	simm.s32 $0xC000  }
0x6: {  	s16 =	simm.s32 $0x2;
	s17 =	simm.s32 $0xC800;
	s4 =	sand.u32 $0x1, s4  }
0x7: {  	s18 =	simm.s32 $0xD000;
	s5 =	sshll.u32 s1, $0xC;
	s6 =	sshll.u32 s4, $0xB  }
0x8: {  	s19 =	simm.s32 $0x0;
	[smem:$0x7FF] =	sst s2;
	s5 =	sor.u32 s6, s5  }
0x9: {  	_ =	strace $0x8000004A;
	s4 =	ssub.s32 $0x2, s4;
	s6 =	sshll.u32 s5, $0x5  }
0xa: {  	s31 =	sshrl.u32 s4, $0x1;
	s5 =	sshrl.u32 s5, $0x3;
	s6 =	sadd.s32 s6, s3  }
0xb: {  	s9 =	ssub.s32 s4, s31;
	s8 =	sadd.s32 s5, s3;
	s3 =	sadd.s32 $0x201600, s6  }
0xc: {  	v0 =	vlaneseq.u32;
	s9 =	smax.u32 s9, $0x1;
	s4 =	sadd.s32 $0x20160B, s6;
	s5 =	sadd.s32 $0x201615, s6  }
0xd: {  	v0 =	vmul.u32 $0x8, v0;
	s6 =	sadd.s32 $0x1600, s8;
	s7 =	sadd.s32 $0x3600, s8;
	s8 =	sadd.s32 $0x5600, s8  }
.LBB2_1:
0xe: {  	[tilespmem:s2], [sflag:$0x1] =	stream.strided.gather [hbm4b:s3+s10], $0x4000, s11, s10, $0x38;
	[tilespmem:$0xD800] =	vst v63  }
0xf: {  	_ = 	snop  }
0x10: {  	[tilespmem:s12], [sflag:$0x1] =	stream.strided.gather [hbm4b:s4+s10], $0x4000, s11, s10, $0x38;
	[tilespmem:$0xD800] =	vst v63  }
0x11: {  	_ = 	snop  }
0x12: {  	[tilespmem:s13], [sflag:$0x1] =	stream.strided.gather [hbm4b:s5+s10], $0x4000, s11, s10, $0x38;
	[tilespmem:$0xD800] =	vst v63  }
0x13: {  	_ =	swait.ge [sflag:s14], $0x4000  }
0x14: {  	v1 =	vmov s2;
	[sflag:s14] =	ssyncset.done $0x0  }
0x15: {  	v1 =	vshll.u32 v1, $0x3;
	[sflag:s14] =	ssyncadd.s32 $0xFFFFC000  }
0x16: {  	v1 =	vor.u32 v0, v1;
	_ =	swait.ge [sflag:s14], $0x4000  }
0x17: {  	v2 =	vor.u32 $0x4, v1;
	[sflag:s14] =	ssyncset.done $0x0  }
0x18: {  	[sflag:s14] =	ssyncadd.s32 $0xFFFFC000  }
0x19: {  	_ =	swait.ge [sflag:s14], $0x4000  }
0x1a: {  	[sflag:s14] =	ssyncset.done $0x0  }
0x1b: {  	[sflag:s14] =	ssyncadd.s32 $0xFFFFC000  }
0x1c: {  	v2 =	vld.idx.msk [tilespmem:v2+s2+$0x0], $0xffff  }
0x1d: {  	v3 =	vor.u32 $0x4001, v1;
	_ =	sdelay $0x3  }
0x1e: {  	[tilespmem:s18+$0xFFFFF000] =	vst v2  }
0x1f: {  	v3 =	vld.idx.msk [tilespmem:v3+s2+$0x0], $0xffff  }
0x20: {  	v1 =	vor.u32 $0x8006, v1;
	_ =	sdelay $0x2  }
0x21: {  	s20 =	simm.s32 $0x10  }
0x22: {  	s21 =	simm.s32 $0x20;
	v2 =	vmov s20;
	s20 =	simm.s32 $0xD000;
	[tilespmem:s18+$0xFFFFF800] =	vst v3  }
.LBB2_2:
0x23: {  	p0 =	sne.s32 s21, $0x7F0;
	v2 =	vshll.u32 v2, $0x3;
	v1 =	vld.idx.msk [tilespmem:v1+s2+$0x0], $0xffff  }
0x24: {  	v2 =	vor.u32 v0, v2  }
0x25: {  	v3 =	vor.u32 $0x4, v2;
	_ =	sdelay $0x3  }
0x26: {  	[tilespmem:s20+$0x0] =	vst v1  }
0x27: {  	v1 =	vld.idx.msk [tilespmem:v3+s2+$0x0], $0xffff;
	_ =	sdelay $0x1  }
0x28: {  	v3 =	vor.u32 $0x4001, v2;
	_ =	sdelay $0x2  }
0x29: {  	s20 =	sadd.s32 $0x10, s20  }
0x2a: {  	[tilespmem:s20+$0xFFFFF000] =	vst v1  }
0x2b: {  	v3 =	vld.idx.msk [tilespmem:v3+s2+$0x0], $0xffff;
	_ =	sdelay $0x1  }
.Ltmp0:
0x2c: {  	v1 =	vor.u32 $0x8006, v2;
	(pc) =	sbr.rel @p0 .LBB2_2-.Ltmp0, $2  }
0x2d: {  	_ =	sdelay $0x2  }
0x2e: {  	v2 =	vmov s21;
	s21 =	sadd.s32 $0x10, s21;
	[tilespmem:s20+$0xFFFFF800] =	vst v3  }
0x2f: {  	_ =	sdelay $0x2  }
0x30: {  	v2 =	vshll.u32 v2, $0x3  }
0x31: {  	v1 =	vld.idx.msk [tilespmem:v1+s2+$0x0], $0xffff;
	v2 =	vor.u32 v0, v2  }
0x32: {  	v3 =	vor.u32 $0x4, v2;
	_ =	sdelay $0x3  }
0x33: {  	[tilespmem:s20+$0x0] =	vst v1  }
0x34: {  	v1 =	vld.idx.msk [tilespmem:v3+s2+$0x0], $0xffff  }
0x35: {  	v3 =	vor.u32 $0x4001, v2;
	_ =	sdelay $0x2  }
0x36: {  	s31 =	sadd.s32 $0x10, s20  }
0x37: {  	[tilespmem:s31+$0xFFFFF000] =	vst v1  }
0x38: {  	v1 =	vld.idx.msk [tilespmem:v3+s2+$0x0], $0xffff  }
0x39: {  	v2 =	vor.u32 $0x8006, v2;
	_ =	sdelay $0x3  }
0x3a: {  	[tilespmem:s31+$0xFFFFF800] =	vst v1  }
0x3b: {  	v1 =	vld.idx.msk [tilespmem:v2+s2+$0x0], $0xffff;
	_ =	sdelay $0x4  }
0x3c: {  	[tilespmem:s31+$0x0] =	vst v1  }
0x3d: {  	[hbm4b:s6+s2] =	stream.linear.scatter [tilespmem:s15], [sflag:$0x2], $0x800, $0x38;
	[tilespmem:$0xD800] =	vst v63  }
0x3e: {  	_ =	swait.ge [sflag:s16], $0x800  }
0x3f: {  	[sflag:s16] =	ssyncset.done $0x0  }
0x40: {  	[sflag:s16] =	ssyncadd.s32 $0xFFFFF800  }
0x41: {  	[hbm4b:s7+s2] =	stream.linear.scatter [tilespmem:s17], [sflag:$0x2], $0x800, $0x38;
	[tilespmem:$0xD800] =	vst v63  }
0x42: {  	s19 =	sadd.s32 $0x1, s19;
	_ =	swait.ge [sflag:s16], $0x800  }
0x43: {  	p0 =	sne.s32 s19, s9;
	[sflag:s16] =	ssyncset.done $0x0  }
.Ltmp1:
0x44: {  	[sflag:s16] =	ssyncadd.s32 $0xFFFFF800;
	(pc) =	sbr.rel @p0 .LBB2_1-.Ltmp1, $4  }
0x45: {  	[hbm4b:s8+s2] =	stream.linear.scatter [tilespmem:s18], [sflag:$0x2], $0x800, $0x38;
	[tilespmem:$0xD800] =	vst v63  }
0x46: {  	_ =	swait.ge [sflag:s16], $0x800  }
0x47: {  	[sflag:s16] =	ssyncset.done $0x0  }
0x48: {  	[sflag:s16] =	ssyncadd.s32 $0xFFFFF800  }
0x49: {  	_ =	sfence.sel $0x180000  }
0x4a: {  	[bflag:$0x0] =	sbarrier.arrive $0xFFFF  }
0x4b: {  	p0 =	sne.s32 s1, $0x0;
	_ =	strace $0x9000004A  }
0x4c: {  	s0 =	sadd.s32 @!p0 $0x100000, s0;
	[bflag:$0x2] =	sbarrier.arrive $0xFFFF  }
0x4d: {  	[sflag:s0] =	ssyncadd.tile.s32 @!p0 $0x1;
	_ =	shalt  }
.Lfunc_end2:
_tile_overlayer_lowered:
.L_overlay_start_2:
0x4e: {  	(tag) =	ssettag $0x2  }
0x4f: {  	s0 =	rddreg [dreg:$0x0];
	s2 =	stileid.u32  }
0x50: {  	s1 =	rddreg [dreg:$0x1];
	p0 =	sne.s32 s2, $0x0  }
0x51: {  	s3 =	rddreg [dreg:$0x2];
	[bflag:$0x3] =	sbarrier.arrive $0xFFFF;
	s2 =	simm.s32 @!p0 $0x1C02  }
0x52: {  	[timem:s3], [sflag:s2] =	dma.local @!p0 [hbm:s0], s1  }
0x53: {  	s0 =	simm.s32 @!p0 $0x2  }
0x54: {  	_ =	swait.ge @!p0 [sflag:s0], s1  }
0x55: {  	s1 =	ssub.s32 @!p0 $0x0, s1;
	[sflag:s0] =	ssyncset.done @!p0 $0x0  }
0x56: {  	[sflag:s0] =	ssyncadd.s32 @!p0 s1  }
0x57: {  	[bflag:$0x3] =	sbarrier.arrive $0xFFFF  }
0x58: {  	_ =	shalt  }

// kernel: sparse-core-data-format-call.cloned.1.call-start
scs
called_computation_lowered:
.L_overlay_start_0:
0x0: {  	s1 =	sld [smem:$0x3FD9]  }
0x1: {  	s2 =	sld [smem:$0x3FFE];
	_ =	sdelay $0x1  }
0x2: {  	s3 =	srdreg.scid  }
0x3: {  	s0 =	sand.u32 $0x1, s3  }
0x4: {  	s17 =	sshll.u32 s0, $0xA;
	s1 =	sadd.s32 s2, s1  }
0x5: {  	s1 =	sadd.s32 s1, s17  }
0x6: {  	[smem:$0x3FC5] =	sst s1  }
0x7: {  	_ = 	snop  }
0x8: {  	(tm) =	ssettm $0x1  }
0x9: {  	s18 =	sld [smem:$0x3FFB];
	_ =	sdelay $0x3  }
0xa: {  	_ =	strace s18  }
0xb: {  	s1 =	sld [smem:$0x3FFC];
	_ =	sdelay $0x3  }
0xc: {  	_ =	strace s1  }
0xd: {  	s1 =	sld [smem:$0x3FFD];
	_ =	sdelay $0x3  }
0xe: {  	_ =	strace s1  }
0xf: {  	_ =	strace $0x8FFFFFFF  }
0x10: {  	s19 =	sld [smem:$0x3FDB];
	_ =	sdelay $0x1  }
0x11: {  	s20 =	simm.s32 $_scs_section_size  }
0x12: {  	s4 =	simm.s32 $_size__tile_overlayer_lowered;
	s5 =	simm.s32 $_tile_overlayer_lowered  }
0x13: {  	s23 =	simm.s32 $0x1BFF;
	s22 =	sshll.u32 s5, $0x1;
	s1 =	sadd.s32 s20, s19  }
0x14: {  	s6 =	simm.s32 $0x0;
	s21 =	sshll.u32 s4, $0x1;
	s4 =	sadd.s32 s22, s1  }
0x15: {  	[timem:s6], [sflag:s23] =	dma.local [hbm:s4], s21  }
0x16: {  	_ =	swait.ge [sflag:s23], s21  }
0x17: {  	s2 =	ssub.s32 $0x0, s21;
	[sflag:s23] =	ssyncset.done $0x0  }
0x18: {  	[sflag:s23] =	ssyncadd.s32 s2;
	_ =	sdelay $0x1  }
0x19: {  	s24 =	simm.s32 $0x1B8B  }
0x1a: {  	_ =	swait.ge [sflag:s24], $0x1  }
0x1b: {  	[sflag:s24] =	ssyncset.done $0x0  }
0x1c: {  	s26 =	simm.s32 $0x1B8E;
	s25 =	sld [smem:$0x3FFE];
	[sflag:s24] =	ssyncadd.s32 $0xFFFFFFFF  }
0x1d: {  	s27 =	simm.s32 $execute0_lowered;
	[smem:$0x3FD2] =	sst s26  }
0x1e: {  	s4 =	sshll.u32 s27, $0x1;
	_ =	strace $0x80000046;
	[dreg:$0x1] =	wrdreg $0xFFFFFFFF  }
0x1f: {  	s28 =	simm.s32 $_size_execute0_lowered;
	s1 =	sadd.s32 s1, s4;
	[dreg:$0x0] =	wrdreg $0x0  }
0x20: {  	s4 =	sshll.u32 s28, $0x1;
	[dreg:$0x2] =	wrdreg s1  }
0x21: {  	[dreg:$0x3] =	wrdreg s4  }
0x22: {  	[dreg:$0x4] =	wrdreg $0xC0  }
0x23: {  	_ =	task [dreg:s6], $0x5FFFF  }
0x24: {  	[dreg:$0x1] =	wrdreg $0xFFFFFFFF  }
0x25: {  	[dreg:$0x0] =	wrdreg $0x60  }
0x26: {  	[dreg:$0x2] =	wrdreg s25  }
0x27: {  	[dreg:$0x3] =	wrdreg $0x9  }
0x28: {  	_ =	task.clear_ibuf [dreg:s6], $0x4FFFF;
	_ =	strace $0x90000046  }
0x29: {  	s29 =	simm.s32 $0x9;
	_ =	strace $0x80000048  }
0x2a: {  	_ =	swait.ge [sflag:s29], $0x1  }
0x2b: {  	[sflag:s29] =	ssyncadd.s32 $0xFFFFFFFF  }
0x2c: {  	_ =	strace $0x90000048  }
0x2d: {  	_ =	sfence  }
0x2e: {  	s30 =	sld [smem:$0x0];
	_ =	sdelay $0x2  }
0x2f: {  	s31 =	sshll.u32 s3, $0xD;
	s3 =	sshrl.u32 s3, $0x2  }
0x30: {  	s2 =	sand.u32 $0x4000, s31;
	s1 =	sadd.s32 s3, s30  }
0x31: {  	s0 =	sor.u32 s2, s0;
	s1 =	sshll.u32 s1, $0x11  }
0x32: {  	s0 =	sor.u32 s1, s0  }
0x33: {  	s0 =	sadd.s32 $0x8F2B, s0  }
0x34: {  	[sflag:s0] =	ssyncadd.remote.s32 $0x1  }
0x35: {  	_ =	sfence.sel $0xFFFF  }
0x36: {  	[dreg:$0x0] =	wrdreg $0xFFFFFFFF;
	(pc) =	sbr.abs _section_cstart, $3  }
0x37: {  	[dreg:$0x1] =	wrdreg $0xFFFFFFFF  }
0x38: {  	_ =	task.clear_ibuf [dreg:s6], $0x2FFFF;
	_ =	strace $0x9FFFFFFF  }
0x39: {  	(tm) =	ssettm $0x7FFFFFFF  }
tec
execute0_lowered:
.L_overlay_start_1:
0x0: {  	(tag) =	ssettag $0x1  }
0x1: {  	s0 =	srdreg.scid  }
0x2: {  	s1 =	sshll.u32 s0, $0x4  }
0x3: {  	s4 =	rddreg [dreg:$0x0];
	s0 =	stileid.u32;
	s1 =	sand.u32 $0x10, s1  }
0x4: {  	s7 =	simm.s32 $0x1;
	s8 =	simm.s32 $0x2;
	s1 =	sor.u32 s0, s1  }
0x5: {  	s9 =	simm.s32 $0x0;
	s12 =	simm.s32 $0x0;
	s2 =	sshll.u32 s1, $0x3  }
0x6: {  	s11 =	simm.s32 $0x0;
	s3 =	sadd.s32 $0x1600, s4;
	s6 =	ssub.s32 $0x2000, s2  }
.Ltmp0:
0x7: {  	s4 =	sadd.s32 $0x201600, s4;
	s5 =	sand.u32 $0xF8, s6;
	(pc) =	sbr.rel .LBB1_1-.Ltmp0, $4  }
0x8: {  	s1 =	rddreg [dreg:$0x1];
	_ =	strace $0x80000047;
	p0 =	sne.s32 s5, $0x0  }
0x9: {  	s6 =	sshrl.u32 s6, $0x8;
	s5 =	simm.s32 $0x1;
	s7 =	simm.s32 @!p0 $0x0  }
0xa: {  	s10 =	smov.u32 s2;
	[sflag:s5] =	ssyncpa.u1 $0x0;
	s6 =	sadd.s32 s7, s6  }
0xb: {  	[sflag:s8] =	ssyncpa.u1 $0x0;
	s8 =	simm.s32 $0x0;
	s7 =	sadd.s32 $0x1, s6  }
.LBB1_9:
0xc: {  	s14 =	sadd.s32 $0x100, s10  }
0xd: {  	p1 =	sgt.s32 s14, $0x1FFF  }
0xe: {  	s14 =	smov.u32 @p1 s2;
	p1 =	sne.s32 s11, s7  }
.Ltmp1:
0xf: {  	p0 =	slt.u32 s11, $0x2;
	(pc) =	sbr.rel @!p1 .LBB1_10-.Ltmp1, $4  }
0x10: {  	s13 =	simm.s32 @!p0 $0x2  }
0x11: {  	s15 =	sadd.s32 $0x1, s11;
	_ =	swait.ge @!p0 [sflag:s13], $0x4000  }
0x12: {  	s12 =	smov.u32 s10;
	s9 =	sadd.s32 $0x4000, s9;
	[sflag:s13] =	ssyncset.done @!p0 $0x0  }
0x13: {  	s11 =	smov.u32 s15;
	s10 =	smov.u32 s14;
	[sflag:s13] =	ssyncadd.s32 @!p0 $0xFFFFC000  }
.LBB1_1:
0x14: {  	p0 =	sge.u32 s11, s6  }
0x15: {  	s13 =	sxor.u32 @!p0 $0xFFFFFFFF, s11  }
0x16: {  	s31 =	sadd.s32 $0xFFFFFFFF, s11;
	s14 =	sshll.u32 @!p0 s10, $0x8;
	s13 =	sshll.u32 @!p0 s13, $0xE  }
0x17: {  	s15 =	simm.s32 @!p0 $0x0;
	s14 =	sadd.s32 @!p0 s3, s14;
	s13 =	sand.u32 @!p0 $0x4000, s13  }
0x18: {  	[tilespmem:s13], [sflag:$0x1] =	stream.linear.gather @!p0 [hbm4b:s14+s15], $0x4000, $0x38;
	[tilespmem:$0x10000] =	vst v63  }
0x19: {  	p0 =	sge.u32 s31, s6  }
.Ltmp2:
0x1a: {  	_ = 	snop;
	(pc) =	sbr.rel @p0 .LBB1_9-.Ltmp2, $1  }
0x1b: {  	_ =	sdelay $0x3  }
0x1c: {  	s13 =	sshll.u32 s9, $0x2;
	_ =	swait.ge [sflag:s5], $0x4000;
	s14 =	sshll.u32 s11, $0xE  }
0x1d: {  	s16 =	simm.s32 $0x0;
	s17 =	simm.s32 $0x0;
	s15 =	sand.u32 $0x10000, s13  }
0x1e: {  	[sflag:s5] =	ssyncset.done $0x0;
	s31 =	sand.u32 $0x4000, s14;
	s14 =	sshrl.u32 s15, $0x2  }
0x1f: {  	[sflag:s5] =	ssyncadd.s32 $0xFFFFC000;
	s13 =	sor.u32 $0x8000, s31;
	s15 =	sor.u32 $0x8000, s14  }
.LBB1_3:
0x20: {  	s18 =	sshra.s32 s16, $0x2  }
0x21: {  	v0 =	vmov s18;
	_ =	sdelay $0x3  }
0x22: {  	p1 =	por $0x1, $0x1;
	s18 =	simm.s32 $0x0  }
.LBB1_4:
0x23: {  	_ = 	snop  }
0x24: {  	s19 =	sshll.u32 s18, $0xA  }
0x25: {  	s19 =	sand.u32 $0x3FFFFC00, s19  }
0x26: {  	s19 =	sadd.s32 s19, s14  }
0x27: {  	v5 =	vld.idx.msk [tilespmem:v0+s19+$0x70 ss:$0x1], $0xffff  }
0x28: {  	v6 =	vld.idx.msk [tilespmem:v0+s19+$0x10 ss:$0x1], $0xffff  }
0x29: {  	v7 =	vld.idx.msk [tilespmem:v0+s19+$0x20 ss:$0x1], $0xffff  }
0x2a: {  	s31 =	sshll.u32 s18, $0x7;
	v1 =	vld.idx.msk [tilespmem:v0+s19+$0x30 ss:$0x1], $0xffff  }
0x2b: {  	s18 =	sand.u32 $0x3FFFFF80, s31;
	v2 =	vld.idx.msk [tilespmem:v0+s19+$0x40 ss:$0x1], $0xffff  }
0x2c: {  	s18 =	sadd.s32 s18, s15;
	v3 =	vld.idx.msk [tilespmem:v0+s19+$0x50 ss:$0x1], $0xffff  }
0x2d: {  	v4 =	vld.idx.msk [tilespmem:v0+s19+$0x60 ss:$0x1], $0xffff;
	[tilespmem:v0+s18+$0x70 ss:$0x1] =	vst.idx.msk $0xffff, v5  }
0x2e: {  	v5 =	vld.idx.msk [tilespmem:v0+s19+$0x0 ss:$0x1], $0xffff;
	[tilespmem:v0+s18+$0x10 ss:$0x1] =	vst.idx.msk $0xffff, v6;
	s19 =	sadd.s32 $0x80, s19  }
0x2f: {  	p0 =	por p1, p1;
	s20 =	simm.s32 $0x6;
	[tilespmem:v0+s18+$0x20 ss:$0x1] =	vst.idx.msk $0xffff, v7;
	v6 =	vld.idx.msk [tilespmem:v0+s19+$0x70 ss:$0x1], $0xffff  }
.LBB1_5:
0x30: {  	p1 =	sne.s32 s20, $0x1;
	v7 =	vld.idx.msk [tilespmem:v0+s19+$0x10 ss:$0x1], $0xffff;
	[tilespmem:v0+s18+$0x30 ss:$0x1] =	vst.idx.msk $0xffff, v1  }
0x31: {  	v8 =	vld.idx.msk [tilespmem:v0+s19+$0x20 ss:$0x1], $0xffff;
	[tilespmem:v0+s18+$0x40 ss:$0x1] =	vst.idx.msk $0xffff, v2  }
0x32: {  	v1 =	vld.idx.msk [tilespmem:v0+s19+$0x30 ss:$0x1], $0xffff;
	[tilespmem:v0+s18+$0x50 ss:$0x1] =	vst.idx.msk $0xffff, v3  }
.Ltmp3:
0x33: {  	v2 =	vld.idx.msk [tilespmem:v0+s19+$0x40 ss:$0x1], $0xffff;
	[tilespmem:v0+s18+$0x60 ss:$0x1] =	vst.idx.msk $0xffff, v4;
	(pc) =	sbr.rel @p1 .LBB1_5-.Ltmp3, $4  }
0x34: {  	v3 =	vld.idx.msk [tilespmem:v0+s19+$0x50 ss:$0x1], $0xffff;
	[tilespmem:v0+s18+$0x0 ss:$0x1] =	vst.idx.msk $0xffff, v5;
	s18 =	sadd.s32 $0x100, s18  }
0x35: {  	v4 =	vld.idx.msk [tilespmem:v0+s19+$0x60 ss:$0x1], $0xffff;
	[tilespmem:v0+s18+$0x70 ss:$0x1] =	vst.idx.msk $0xffff, v6  }
0x36: {  	v5 =	vld.idx.msk [tilespmem:v0+s19+$0x0 ss:$0x1], $0xffff;
	[tilespmem:v0+s18+$0x10 ss:$0x1] =	vst.idx.msk $0xffff, v7;
	s19 =	sadd.s32 $0x80, s19  }
0x37: {  	s20 =	sadd.s32 $0xFFFFFFFF, s20;
	v6 =	vld.idx.msk [tilespmem:v0+s19+$0x70 ss:$0x1], $0xffff;
	[tilespmem:v0+s18+$0x20 ss:$0x1] =	vst.idx.msk $0xffff, v8  }
0x38: {  	_ =	sdelay $0x3  }
0x39: {  	[tilespmem:v0+s18+$0x30 ss:$0x1] =	vst.idx.msk $0xffff, v1  }
0x3a: {  	v1 =	vld.idx.msk [tilespmem:v0+s19+$0x10 ss:$0x1], $0xffff;
	[tilespmem:v0+s18+$0x40 ss:$0x1] =	vst.idx.msk $0xffff, v2  }
0x3b: {  	v2 =	vld.idx.msk [tilespmem:v0+s19+$0x20 ss:$0x1], $0xffff;
	[tilespmem:v0+s18+$0x50 ss:$0x1] =	vst.idx.msk $0xffff, v3  }
0x3c: {  	v61 =	vld.idx.msk [tilespmem:v0+s19+$0x40 ss:$0x1], $0xffff;
	[tilespmem:v0+s18+$0x60 ss:$0x1] =	vst.idx.msk $0xffff, v4  }
0x3d: {  	s31 =	sadd.s32 $0x100, s18;
	v62 =	vld.idx.msk [tilespmem:v0+s19+$0x50 ss:$0x1], $0xffff;
	[tilespmem:v0+s18+$0x0 ss:$0x1] =	vst.idx.msk $0xffff, v5  }
0x3e: {  	v63 =	vld.idx.msk [tilespmem:v0+s19+$0x60 ss:$0x1], $0xffff;
	[tilespmem:v0+s31+$0x70 ss:$0x1] =	vst.idx.msk $0xffff, v6  }
0x3f: {  	v3 =	vld.idx.msk [tilespmem:v0+s19+$0x30 ss:$0x1], $0xffff;
	[tilespmem:v0+s31+$0x10 ss:$0x1] =	vst.idx.msk $0xffff, v1  }
0x40: {  	v1 =	vld.idx.msk [tilespmem:v0+s19+$0x0 ss:$0x1], $0xffff;
	[tilespmem:v0+s31+$0x20 ss:$0x1] =	vst.idx.msk $0xffff, v2  }
.Ltmp4:
0x41: {  	[tilespmem:v0+s31+$0x40 ss:$0x1] =	vst.idx.msk $0xffff, v61;
	(pc) =	sbr.rel @p0 .LBB1_4-.Ltmp4, $4  }
0x42: {  	[tilespmem:v0+s31+$0x50 ss:$0x1] =	vst.idx.msk $0xffff, v62  }
0x43: {  	[tilespmem:v0+s31+$0x60 ss:$0x1] =	vst.idx.msk $0xffff, v63  }
0x44: {  	[tilespmem:v0+s31+$0x30 ss:$0x1] =	vst.idx.msk $0xffff, v3  }
0x45: {  	p1 =	por $0x0, $0x0;
	s18 =	simm.s32 $0x1;
	[tilespmem:v0+s31+$0x0 ss:$0x1] =	vst.idx.msk $0xffff, v1  }
0x46: {  	s17 =	sadd.s32 $0x1, s17  }
0x47: {  	p0 =	sne.s32 s17, $0x8  }
.Ltmp5:
0x48: {  	_ = 	snop;
	(pc) =	sbr.rel @p0 .LBB1_3-.Ltmp5, $2  }
0x49: {  	_ =	sdelay $0x2  }
0x4a: {  	s16 =	sadd.s32 $0x2000, s16  }
.Ltmp6:
0x4b: {  	(pc) =	sbr.rel .LBB1_9-.Ltmp6, $4  }
0x4c: {  	_ = 	snop  }
0x4d: {  	s12 =	sshll.u32 s12, $0x8  }
0x4e: {  	s12 =	sadd.s32 s4, s12  }
0x4f: {  	[hbm4b:s12+s8] =	stream.linear.scatter [tilespmem:s13], [sflag:$0x2], $0x4000, $0x38;
	[tilespmem:$0x10000] =	vst v63  }
.LBB1_10:
0x50: {  	_ =	sfence.sel $0x180000  }
0x51: {  	s2 =	simm.s32 $0x1;
	[bflag:$0x0] =	sbarrier.arrive $0xFFFF  }
0x52: {  	s31 =	simm.s32 $0x2;
	[sflag:s2] =	ssyncpa.u1 $0x1  }
0x53: {  	[sflag:s31] =	ssyncpa.u1 $0x1  }
0x54: {  	p0 =	sne.s32 s0, $0x0;
	_ =	strace $0x90000047  }
0x55: {  	s0 =	sadd.s32 @!p0 $0x100000, s1;
	[bflag:$0x2] =	sbarrier.arrive $0xFFFF  }
0x56: {  	[sflag:s0] =	ssyncadd.tile.s32 @!p0 $0x1;
	_ =	shalt  }
.Lfunc_end1:
_tile_overlayer_lowered:
.L_overlay_start_2:
0x57: {  	(tag) =	ssettag $0x2  }
0x58: {  	s0 =	rddreg [dreg:$0x0];
	s2 =	stileid.u32  }
0x59: {  	s1 =	rddreg [dreg:$0x1];
	p0 =	sne.s32 s2, $0x0  }
0x5a: {  	s3 =	rddreg [dreg:$0x2];
	[bflag:$0x3] =	sbarrier.arrive $0xFFFF;
	s2 =	simm.s32 @!p0 $0x1C01  }
0x5b: {  	[timem:s3], [sflag:s2] =	dma.local @!p0 [hbm:s0], s1  }
0x5c: {  	s0 =	simm.s32 @!p0 $0x1  }
0x5d: {  	_ =	swait.ge @!p0 [sflag:s0], s1  }
0x5e: {  	s1 =	ssub.s32 @!p0 $0x0, s1;
	[sflag:s0] =	ssyncset.done @!p0 $0x0  }
0x5f: {  	[sflag:s0] =	ssyncadd.s32 @!p0 s1  }
0x60: {  	[bflag:$0x3] =	sbarrier.arrive $0xFFFF  }
0x61: {  	_ =	shalt  }

</sc_bundles>
